<compile_context>
chip_gen: v7x
topology: tpu7x:2x2x1
jax: 0.10.2.dev20260603
libtpu: 0.0.44.dev20260713+nightly
codegen_flags: <defaults>
</compile_context>

<pallas_src>
import math

import jax
import jax.numpy as jnp
from jax import lax
from jax.experimental import pallas as pl
from jax.experimental.pallas import tpu as pltpu
from jax.experimental.pallas import tpu_sc as plsc

F32 = jnp.float32
SEQ, USERS = 50, 1024
T = SEQ * USERS
D = 20
NCENT = 64
NCAND = 64
CD = NCAND * D
NLOC_CAND = NCENT * NCAND
BF16 = jnp.bfloat16


def _bdot(a16, b16):
    return jnp.dot(a16, b16, preferred_element_type=F32)


def _split3(x):
    h1 = x.astype(BF16)
    r1 = x - h1.astype(F32)
    h2 = r1.astype(BF16)
    r2 = r1 - h2.astype(F32)
    h3 = r2.astype(BF16)
    return h1, h2, h3


def _dotA01(a, b16):
    return sum(_bdot(h, b16) for h in _split3(a))


def _dot01B(a16, b):
    return sum(_bdot(a16, h) for h in _split3(b))


def _split2(x):
    h1 = x.astype(BF16)
    h2 = (x - h1.astype(F32)).astype(BF16)
    return h1, h2


def _dotA01_2(a, b16):
    return sum(_bdot(h, b16) for h in _split2(a))


def _dot01B_2(a16, b):
    return sum(_bdot(a16, h) for h in _split2(b))


def _mdot(a, b):
    return jnp.dot(a.astype(jnp.bfloat16), b.astype(jnp.bfloat16),
                   preferred_element_type=jnp.float32)


PADW = 128


def _sc_gather(vecs_pad, xv, i_arr, cand_flat):
    info = plsc.get_sparse_core_info()
    ncores, nsub = info.num_cores, info.num_subcores
    nw = ncores * nsub
    tpw = T // nw
    cpw = NLOC_CAND // nw
    ch = 400
    mesh = plsc.VectorSubcoreMesh(core_axis_name="c", subcore_axis_name="s")

    def body(vecs_hbm, xv_hbm, i_hbm, cf_hbm, xemb_out, cent_out, crows_out,
             idx_v, emb_v, cent_v, cidx_v, crows_v, sem_e, sem_c, sem_r):
        wid = lax.axis_index("s") * ncores + lax.axis_index("c")
        base = wid * tpw
        pltpu.sync_copy(xv_hbm.at[pl.ds(base, tpw)], idx_v)
        cp2 = pltpu.async_copy(i_hbm.at[idx_v], cent_v, sem_c)
        cbase = wid * cpw
        pltpu.sync_copy(cf_hbm.at[pl.ds(cbase, cpw)], cidx_v)
        cp3 = pltpu.async_copy(vecs_hbm.at[cidx_v], crows_v, sem_r)
        for c in range(tpw // ch):
            cp1 = pltpu.async_copy(
                vecs_hbm.at[idx_v.at[pl.ds(c * ch, ch)]], emb_v, sem_e)
            cp1.wait()
            pltpu.sync_copy(emb_v, xemb_out.at[pl.ds(base + c * ch, ch)])
        cp2.wait()
        cp3.wait()
        pltpu.sync_copy(cent_v, cent_out.at[pl.ds(base, tpw)])
        pltpu.sync_copy(crows_v, crows_out.at[pl.ds(cbase, cpw)])

    fn = pl.kernel(
        body,
        out_type=(jax.ShapeDtypeStruct((T, PADW), F32),
                  jax.ShapeDtypeStruct((T,), jnp.int32),
                  jax.ShapeDtypeStruct((NLOC_CAND, PADW), F32)),
        mesh=mesh,
        scratch_types=[pltpu.VMEM((tpw,), jnp.int32),
                       pltpu.VMEM((ch, PADW), F32),
                       pltpu.VMEM((tpw,), jnp.int32),
                       pltpu.VMEM((cpw,), jnp.int32),
                       pltpu.VMEM((cpw, PADW), F32),
                       pltpu.SemaphoreType.DMA,
                       pltpu.SemaphoreType.DMA,
                       pltpu.SemaphoreType.DMA],
    )
    return fn(vecs_pad, xv, i_arr, cand_flat)


def _tables_body(cr, te, w1, b1, w2, b2, out, ns_out):
    v = cr[...]
    t2 = te[2:3, :]
    h = _mdot(v, w1[0:D, :]) + _mdot(t2, w1[D:2 * D, :]) + b1[...]
    h = jnp.maximum(h, 0.0)
    s = _mdot(h, w2[...]) + b2[...]
    out[...] = s
    ns_out[...] = jnp.sum(s * s, axis=1, keepdims=True)


def _tc_tables(cand_rows, te, wi1, bi1, wi2, bi2):
    return pl.pallas_call(
        _tables_body,
        out_shape=(jax.ShapeDtypeStruct((NLOC_CAND, D), F32),
                   jax.ShapeDtypeStruct((NLOC_CAND, 1), F32)),
    )(cand_rows, te, wi1, bi1.reshape(1, -1), wi2, bi2.reshape(1, -1))


_EULER = math.e


def _main_body(x4_ref, x3_ref, x2_ref, x1_ref, xe_ref, ts_ref, ct_ref,
               s2_ref, ns_ref, r2_ref,
               ws1, bs1, ws2, bs2, wo1, bo1, wo2, bo2, te, out_ref):
    xe = xe_ref[0][:, 0:D]
    tsl = ts_ref[0, 0]
    ct = ct_ref[0, 0]

    hacc = (_mdot(x4_ref[0][:, 0:D], ws1[0:D, :])
            + _mdot(x3_ref[0][:, 0:D], ws1[D:2 * D, :])
            + _mdot(x2_ref[0][:, 0:D], ws1[2 * D:3 * D, :])
            + _mdot(x1_ref[0][:, 0:D], ws1[3 * D:4 * D, :])
            + _mdot(xe, ws1[4 * D:5 * D, :]))
    h1 = jnp.maximum(hacc + bs1[...], 0.0)
    hseq = _mdot(h1, ws2[...]) + bs2[...]

    hh = tsl % 24
    m0 = (hh >= 22) | (hh < 6)
    m1 = (hh >= 6) & (hh < 14)
    m2 = jnp.logical_not(m0 | m1)
    tep = _mdot(te[0:3, :], wo1[D:2 * D, :])
    tec = (m0.astype(F32)[:, None] * tep[0:1, :]
           + m1.astype(F32)[:, None] * tep[1:2, :]
           + m2.astype(F32)[:, None] * tep[2:3, :])
    x1 = jnp.maximum(_mdot(xe, wo1[0:D, :]) + tec + bo1[...], 0.0)
    xi = _mdot(x1, wo2[...]) + bo2[...]

    q = (hseq + xi) * 0.5

    iota64t = lax.broadcasted_iota(jnp.int32, (NCAND, USERS), 0)
    oh16 = (ct[None, :] == iota64t).astype(BF16)
    cand_sd = _dotA01(s2_ref[...], oh16)
    nc = _dotA01(ns_ref[...], oh16)
    cand_r = _dotA01_2(r2_ref[...], oh16)

    qt = jnp.transpose(q)
    qc = qt[0:1, :] * cand_sd[0:NCAND, :]
    for dd in range(1, D):
        qc = qc + qt[dd:dd + 1, :] * cand_sd[dd * NCAND:(dd + 1) * NCAND, :]
    q2 = jnp.sum(qt * qt, axis=0, keepdims=True)
    d2 = jnp.maximum(q2 - 2.0 * qc + nc, 0.0)
    score = jnp.exp(-0.02 * jnp.sqrt(d2 + 1e-12))

    neg = F32(-1e30)
    alive = jnp.ones((NCAND, USERS), dtype=jnp.bool_)
    sel = jnp.zeros((NCAND, USERS), dtype=jnp.bool_)
    for _ in range(10):
        cur = jnp.where(alive, score, neg)
        m = jnp.max(cur, axis=0, keepdims=True)
        first = jnp.min(jnp.where(cur == m, iota64t, NCAND),
                        axis=0, keepdims=True)
        pick = iota64t == first
        sel = sel | pick
        alive = alive & jnp.logical_not(pick)

    wt = jnp.where(sel, jnp.exp(score), 0.0)
    z = jnp.sum(wt, axis=0, keepdims=True) + _EULER
    rsum16 = (lax.broadcasted_iota(jnp.int32, (CD, NCAND), 0) // D
              == lax.broadcasted_iota(jnp.int32, (CD, NCAND), 1)).astype(BF16)
    wrep = sum(_bdot(rsum16, h) for h in _split2(wt))
    tile16 = (lax.broadcasted_iota(jnp.int32, (D, CD), 1) % D
              == lax.broadcasted_iota(jnp.int32, (D, CD), 0)).astype(BF16)
    outn = sum(_bdot(tile16, h) for h in _split2(wrep * cand_r))
    res_t = (outn + _EULER * jnp.transpose(xe)) / z
    out_ref[0] = jnp.transpose(res_t)


def _tc_main(xp3, ts3, ct3, s2, ns2, r2,
             ws1, bs1, ws2, bs2, wo1, bo1, wo2, bo2, te):
    bs1, bs2 = bs1.reshape(1, -1), bs2.reshape(1, -1)
    bo1, bo2 = bo1.reshape(1, -1), bo2.reshape(1, -1)
    full2 = lambda a: pl.BlockSpec(a.shape, lambda s: (0, 0))

    def shift_spec(k):
        return pl.BlockSpec(
            (1, USERS, PADW),
            lambda s, k=k: (jnp.where(s >= k, s - k, s), 0, 0))

    in_specs = [
        shift_spec(4), shift_spec(3), shift_spec(2), shift_spec(1),
        shift_spec(0),
        pl.BlockSpec((1, 1, USERS), lambda s: (s, 0, 0)),
        pl.BlockSpec((1, 1, USERS), lambda s: (s, 0, 0)),
        full2(s2), full2(ns2), full2(r2),
        full2(ws1), full2(bs1), full2(ws2), full2(bs2),
        full2(wo1), full2(bo1), full2(wo2), full2(bo2), full2(te),
    ]
    return pl.pallas_call(
        _main_body,
        grid=(SEQ,),
        in_specs=in_specs,
        out_specs=pl.BlockSpec((1, USERS, D), lambda s: (s, 0, 0)),
        out_shape=jax.ShapeDtypeStruct((SEQ, USERS, D), F32),
    )(xp3, xp3, xp3, xp3, xp3, ts3, ct3, s2, ns2, r2,
      ws1, bs1, ws2, bs2, wo1, bo1, wo2, bo2, te)


def kernel(x, t_slot, y, y_t_slot, vecs_use, I_array, cand_table,
           time_embeddings, Ws1, bs1, Ws2, bs2, Wo1, bo1, Wo2, bo2,
           Wi1, bi1, Wi2, bi2):
    xv = x.reshape(-1).astype(jnp.int32)
    i_arr = I_array.astype(jnp.int32)
    cf = cand_table.reshape(-1).astype(jnp.int32)
    vecs_pad = jnp.pad(vecs_use, ((0, 0), (0, PADW - D)))

    x_emb_pad, cent, cand_rows_pad = _sc_gather(vecs_pad, xv, i_arr, cf)
    cand_rows = cand_rows_pad[:, :D]

    s_tab, ns = _tc_tables(cand_rows, time_embeddings, Wi1, bi1, Wi2, bi2)
    s2 = s_tab.reshape(NCENT, NCAND, D).transpose(2, 1, 0).reshape(CD, NCENT)
    ns2 = ns.reshape(NCENT, NCAND).T
    r2 = cand_rows.reshape(NCENT, CD).T

    xp3 = x_emb_pad.reshape(SEQ, USERS, PADW)
    ts3 = t_slot.reshape(SEQ, 1, USERS).astype(jnp.int32)
    ct3 = cent.reshape(SEQ, 1, USERS)

    out = _tc_main(xp3, ts3, ct3, s2, ns2, r2,
                   Ws1, bs1, Ws2, bs2, Wo1, bo1, Wo2, bo2, time_embeddings)
    return out.reshape(T, D)

# --- scband reference (transcript-rebuilt; emitter-appended) ---
"""Pipeline reference for scband-dy-graph-combined-model-31739808317572 (READ-ONLY COPY).

The authoritative reference and input builder live on the scoring server;
editing this copy changes nothing except your own understanding.
"""

import jax, jax.numpy as jnp
import numpy as np


def _map_hour_to_segment(t):
    h = t % 24
    return jnp.where((h >= 22) | (h < 6), 0, jnp.where((h >= 6) & (h < 14), 1, 2))


def setup_inputs(seed: int = 0):
    key = jax.random.key(seed)
    ks = jax.random.split(key, 20)
    seq_len, user_len = 50, 1024
    num_locs = 100000
    num_centroids = 64
    n_cand = 64

    def lin_w(k, fi, fo):
        return (jax.random.normal(k, (fi, fo), dtype=jnp.float32) / np.sqrt(fi)).astype(jnp.float32)

    inp = {}
    inp["x"] = jax.random.randint(ks[0], (seq_len, user_len), 0, num_locs)
    inp["t_slot"] = jax.random.randint(ks[1], (seq_len, user_len), 0, 168)
    inp["y"] = jax.random.randint(ks[2], (seq_len, user_len), 0, num_locs)
    inp["y_t_slot"] = jax.random.randint(ks[3], (seq_len, user_len), 0, 168)
    inp["vecs_use"] = jax.random.normal(ks[4], (num_locs, 20), dtype=jnp.float32) * 0.1
    inp["I_array"] = jax.random.randint(ks[5], (num_locs,), 0, num_centroids)
    inp["cand_table"] = jax.random.randint(ks[6], (num_centroids, n_cand), 0, num_locs)
    inp["time_embeddings"] = jax.random.normal(ks[7], (4, 20), dtype=jnp.float32) * 0.1
    inp["Ws1"] = lin_w(ks[8], 100, 40)
    inp["bs1"] = jnp.zeros((40,), dtype=jnp.float32)
    inp["Ws2"] = lin_w(ks[9], 40, 20)
    inp["bs2"] = jnp.zeros((20,), dtype=jnp.float32)
    inp["Wo1"] = lin_w(ks[10], 40, 40)
    inp["bo1"] = jnp.zeros((40,), dtype=jnp.float32)
    inp["Wo2"] = lin_w(ks[11], 40, 20)
    inp["bo2"] = jnp.zeros((20,), dtype=jnp.float32)
    inp["Wi1"] = lin_w(ks[12], 40, 40)
    inp["bi1"] = jnp.zeros((40,), dtype=jnp.float32)
    inp["Wi2"] = lin_w(ks[13], 40, 20)
    inp["bi2"] = jnp.zeros((20,), dtype=jnp.float32)
    return inp


def _forward(x, t_slot, vecs_use, I_array, cand_table, time_embeddings,
             Ws1, bs1, Ws2, bs2, Wo1, bo1, Wo2, bo2, Wi1, bi1, Wi2, bi2):
    seq_len, user_len = x.shape
    xv = x.reshape(-1)
    tv = t_slot.reshape(-1)
    seg = _map_hour_to_segment(tv)
    # x embeddings + time-conditioned query transform (time_transfer_out)
    x_emb = jnp.take(vecs_use, xv, axis=0)
    x_time_emb = jnp.take(time_embeddings, seg, axis=0)
    xi = jnp.concatenate([x_emb, x_time_emb], axis=-1)
    xi = jax.nn.relu(xi @ Wo1 + bo1) @ Wo2 + bo2
    # target-time-conditioned key transform over all locations (time_transfer_in)
    rand_emb = jnp.broadcast_to(time_embeddings[2], (vecs_use.shape[0], 20))
    vec_output = jnp.concatenate([vecs_use, rand_emb], axis=-1)
    vec_output = jax.nn.relu(vec_output @ Wi1 + bi1) @ Wi2 + bi2
    # 5-step history concat (edge-clamped shifts) -> seq embedding MLP
    x3 = x_emb.reshape(seq_len, user_len, 20)

    def shift(k):
        return jnp.concatenate([x3[0:k], x3[0:seq_len - k]], axis=0).reshape(-1, 20)

    hist = jnp.concatenate([shift(4), shift(3), shift(2), shift(1), x3.reshape(-1, 20)], axis=-1)
    hist = jax.nn.relu(hist @ Ws1 + bs1) @ Ws2 + bs2
    # faiss-style coarse quantizer: centroid id per token -> candidate list
    cent = jnp.take(I_array, xv, axis=0)
    cands = jnp.take(cand_table, cent, axis=0)            # [T, C]
    cand_emb = jnp.take(vec_output, cands, axis=0)        # [T, C, 20]
    query = (hist + xi) / 2.0
    dist = jnp.sqrt(jnp.sum((query[:, None, :] - cand_emb) ** 2, axis=2) + 1e-12)
    score = jnp.exp(-0.02 * dist)
    vals, idxs = jax.lax.top_k(score, 10)
    neigh = jnp.take_along_axis(cands, idxs, axis=1)      # [T, 10]
    emb_n = jnp.take(vecs_use, neigh.reshape(-1), axis=0).reshape(vals.shape[0], 10, 20)
    self_e = jnp.take(vecs_use, xv, axis=0)[:, None, :]
    emb_all = jnp.concatenate([emb_n, self_e], axis=1)    # [T, 11, 20]
    vals_all = jnp.concatenate([vals, jnp.ones((vals.shape[0], 1), dtype=vals.dtype)], axis=-1)
    w = jax.nn.softmax(vals_all, axis=-1)
    return jnp.sum(emb_all * w[:, :, None], axis=1)       # [T, 20]


def reference(x, t_slot, y, y_t_slot, vecs_use, I_array, cand_table, time_embeddings,
              Ws1, bs1, Ws2, bs2, Wo1, bo1, Wo2, bo2, Wi1, bi1, Wi2, bi2):
    return _forward(x, t_slot, vecs_use, I_array, cand_table, time_embeddings,
                    Ws1, bs1, Ws2, bs2, Wo1, bo1, Wo2, bo2, Wi1, bi1, Wi2, bi2)

if __name__ == "__main__":
    import jax
    _d = setup_inputs()
    print(jax.jit(kernel)(*tuple(_d.values())))

</pallas_src>

<mosaic_0001>
#map = affine_map<(d0, d1) -> (0, 0)>
#map1 = affine_map<(d0, d1) -> (0)>
module attributes {stable_mosaic.version = 14 : i64} {
  func.func @body(%arg0: i32, %arg1: i32, %arg2: memref<100000x128xf32, #tpu.memory_space<hbm>>, %arg3: memref<51200xi32, #tpu.memory_space<hbm>>, %arg4: memref<100000xi32, #tpu.memory_space<hbm>>, %arg5: memref<4096xi32, #tpu.memory_space<hbm>>, %arg6: memref<51200x128xf32, #tpu.memory_space<hbm>>, %arg7: memref<51200xi32, #tpu.memory_space<hbm>>, %arg8: memref<4096x128xf32, #tpu.memory_space<hbm>>, %arg9: memref<1600xi32, #tpu.memory_space<vmem>>, %arg10: memref<400x128xf32, #tpu.memory_space<vmem>>, %arg11: memref<1600xi32, #tpu.memory_space<vmem>>, %arg12: memref<128xi32, #tpu.memory_space<vmem>>, %arg13: memref<128x128xf32, #tpu.memory_space<vmem>>, %arg14: memref<!tpu.dma_semaphore, #tpu.memory_space<semaphore_mem>>, %arg15: memref<!tpu.dma_semaphore, #tpu.memory_space<semaphore_mem>>, %arg16: memref<!tpu.dma_semaphore, #tpu.memory_space<semaphore_mem>>) attributes {dimension_semantics = [#tpu.dimension_semantics<core_parallel>, #tpu.dimension_semantics<subcore_parallel>], iteration_bounds = array<i64: 2, 16>, scalar_prefetch = 0 : i64, scratch_operands = 8 : i64, tpu.core_type = #tpu.core_type<sc_vector_subcore>, window_params = [{transform_indices = #map}, {transform_indices = #map1}, {transform_indices = #map1}, {transform_indices = #map1}, {transform_indices = #map}, {transform_indices = #map1}, {transform_indices = #map}]} {
    %mul3A = arith.constant 2 : i32
    %mul3A_0 = arith.muli %arg1, %mul3A : i32
    %add3A = arith.addi %mul3A_0, %arg0 : i32
    %mul3A_1 = arith.constant 1600 : i32
    %mul3A_2 = arith.muli %add3A, %mul3A_1 : i32
    "tpu.region"() ({
      %run_scoped3A = tpu.sem_alloc : memref<!tpu.dma_semaphore, #tpu.memory_space<semaphore_mem>>
      %dma_start3A_61 = tpu.memref_slice %arg3[%mul3A_2] : memref<51200xi32, #tpu.memory_space<hbm>> -> memref<1600xi32, #tpu.memory_space<hbm>>
      %dma_start3A_62 = tpu.memref_slice %arg3[%mul3A_2] : memref<51200xi32, #tpu.memory_space<hbm>> -> memref<1600xi32, #tpu.memory_space<hbm>>
      tpu.enqueue_dma source(%dma_start3A_62 : memref<1600xi32, #tpu.memory_space<hbm>>) target(%arg9 : memref<1600xi32, #tpu.memory_space<vmem>>) target_semaphore(%run_scoped3A : memref<!tpu.dma_semaphore, #tpu.memory_space<semaphore_mem>>)
      %dma_wait3A_63 = tpu.memref_slice %arg3[%mul3A_2] : memref<51200xi32, #tpu.memory_space<hbm>> -> memref<1600xi32, #tpu.memory_space<hbm>>
      %dma_wait3A_64 = tpu.memref_slice %arg3[%mul3A_2] : memref<51200xi32, #tpu.memory_space<hbm>> -> memref<1600xi32, #tpu.memory_space<hbm>>
      tpu.wait_dma2 semaphore(%run_scoped3A : memref<!tpu.dma_semaphore, #tpu.memory_space<semaphore_mem>>) src(%dma_wait3A_64 : memref<1600xi32, #tpu.memory_space<hbm>>) dst(%arg9 : memref<1600xi32, #tpu.memory_space<vmem>>)
      tpu.yield
    }) : () -> ()
    %dma_start3A = arith.constant 0 : i32
    %dma_start3A_3 = tpu.memref_slice %arg4[%dma_start3A] : memref<100000xi32, #tpu.memory_space<hbm>> -> memref<100000xi32, #tpu.memory_space<hbm>>
    tpu.enqueue_indirect_dma source(%dma_start3A_3 : memref<100000xi32, #tpu.memory_space<hbm>>) target(%arg11 : memref<1600xi32, #tpu.memory_space<vmem>>) offsets(%arg9 : memref<1600xi32, #tpu.memory_space<vmem>>) semaphore(%arg15 : memref<!tpu.dma_semaphore, #tpu.memory_space<semaphore_mem>>)
    %mul3A_4 = arith.constant 128 : i32
    %mul3A_5 = arith.muli %add3A, %mul3A_4 : i32
    "tpu.region"() ({
      %run_scoped3A = tpu.sem_alloc : memref<!tpu.dma_semaphore, #tpu.memory_space<semaphore_mem>>
      %dma_start3A_61 = tpu.memref_slice %arg5[%mul3A_5] : memref<4096xi32, #tpu.memory_space<hbm>> -> memref<128xi32, #tpu.memory_space<hbm>>
      %dma_start3A_62 = tpu.memref_slice %arg5[%mul3A_5] : memref<4096xi32, #tpu.memory_space<hbm>> -> memref<128xi32, #tpu.memory_space<hbm>>
      tpu.enqueue_dma source(%dma_start3A_62 : memref<128xi32, #tpu.memory_space<hbm>>) target(%arg12 : memref<128xi32, #tpu.memory_space<vmem>>) target_semaphore(%run_scoped3A : memref<!tpu.dma_semaphore, #tpu.memory_space<semaphore_mem>>)
      %dma_wait3A_63 = tpu.memref_slice %arg5[%mul3A_5] : memref<4096xi32, #tpu.memory_space<hbm>> -> memref<128xi32, #tpu.memory_space<hbm>>
      %dma_wait3A_64 = tpu.memref_slice %arg5[%mul3A_5] : memref<4096xi32, #tpu.memory_space<hbm>> -> memref<128xi32, #tpu.memory_space<hbm>>
      tpu.wait_dma2 semaphore(%run_scoped3A : memref<!tpu.dma_semaphore, #tpu.memory_space<semaphore_mem>>) src(%dma_wait3A_64 : memref<128xi32, #tpu.memory_space<hbm>>) dst(%arg12 : memref<128xi32, #tpu.memory_space<vmem>>)
      tpu.yield
    }) : () -> ()
    %dma_start3A_6 = arith.constant 0 : i32
    %dma_start3A_7 = arith.constant 0 : i32
    %dma_start3A_8 = tpu.memref_slice %arg2[%dma_start3A_6, %dma_start3A_7] : memref<100000x128xf32, #tpu.memory_space<hbm>> -> memref<100000x128xf32, #tpu.memory_space<hbm>>
    tpu.enqueue_indirect_dma source(%dma_start3A_8 : memref<100000x128xf32, #tpu.memory_space<hbm>>) target(%arg13 : memref<128x128xf32, #tpu.memory_space<vmem>>) offsets(%arg12 : memref<128xi32, #tpu.memory_space<vmem>>) semaphore(%arg16 : memref<!tpu.dma_semaphore, #tpu.memory_space<semaphore_mem>>)
    %dma_start3A_9 = arith.constant 0 : i32
    %dma_start3A_10 = tpu.memref_slice %arg9[%dma_start3A_9] : memref<1600xi32, #tpu.memory_space<vmem>> -> memref<400xi32, #tpu.memory_space<vmem>>
    %dma_start3A_11 = arith.constant 0 : i32
    %dma_start3A_12 = arith.constant 0 : i32
    %dma_start3A_13 = tpu.memref_slice %arg2[%dma_start3A_11, %dma_start3A_12] : memref<100000x128xf32, #tpu.memory_space<hbm>> -> memref<100000x128xf32, #tpu.memory_space<hbm>>
    tpu.enqueue_indirect_dma source(%dma_start3A_13 : memref<100000x128xf32, #tpu.memory_space<hbm>>) target(%arg10 : memref<400x128xf32, #tpu.memory_space<vmem>>) offsets(%dma_start3A_10 : memref<400xi32, #tpu.memory_space<vmem>>) semaphore(%arg14 : memref<!tpu.dma_semaphore, #tpu.memory_space<semaphore_mem>>)
    %dma_wait3A = arith.constant 0 : i32
    %dma_wait3A_14 = tpu.memref_slice %arg9[%dma_wait3A] : memref<1600xi32, #tpu.memory_space<vmem>> -> memref<400xi32, #tpu.memory_space<vmem>>
    %dma_wait3A_15 = arith.constant 0 : i32
    %dma_wait3A_16 = arith.constant 0 : i32
    %dma_wait3A_17 = tpu.memref_slice %arg2[%dma_wait3A_15, %dma_wait3A_16] : memref<100000x128xf32, #tpu.memory_space<hbm>> -> memref<100000x128xf32, #tpu.memory_space<hbm>>
    tpu.wait_indirect_dma semaphore(%arg14 : memref<!tpu.dma_semaphore, #tpu.memory_space<semaphore_mem>>) src(%dma_wait3A_17 : memref<100000x128xf32, #tpu.memory_space<hbm>>) dst(%arg10 : memref<400x128xf32, #tpu.memory_space<vmem>>)
    %add3A_18 = arith.constant 0 : i32
    %add3A_19 = arith.addi %mul3A_2, %add3A_18 : i32
    "tpu.region"() ({
      %run_scoped3A = tpu.sem_alloc : memref<!tpu.dma_semaphore, #tpu.memory_space<semaphore_mem>>
      %dma_start3A_61 = arith.constant 0 : i32
      %dma_start3A_62 = tpu.memref_slice %arg6[%add3A_19, %dma_start3A_61] : memref<51200x128xf32, #tpu.memory_space<hbm>> -> memref<400x128xf32, #tpu.memory_space<hbm>>
      %dma_start3A_63 = arith.constant 0 : i32
      %dma_start3A_64 = tpu.memref_slice %arg6[%add3A_19, %dma_start3A_63] : memref<51200x128xf32, #tpu.memory_space<hbm>> -> memref<400x128xf32, #tpu.memory_space<hbm>>
      tpu.enqueue_dma source(%arg10 : memref<400x128xf32, #tpu.memory_space<vmem>>) target(%dma_start3A_64 : memref<400x128xf32, #tpu.memory_space<hbm>>) target_semaphore(%run_scoped3A : memref<!tpu.dma_semaphore, #tpu.memory_space<semaphore_mem>>)
      %dma_wait3A_65 = arith.constant 0 : i32
      %dma_wait3A_66 = tpu.memref_slice %arg6[%add3A_19, %dma_wait3A_65] : memref<51200x128xf32, #tpu.memory_space<hbm>> -> memref<400x128xf32, #tpu.memory_space<hbm>>
      %dma_wait3A_67 = arith.constant 0 : i32
      %dma_wait3A_68 = tpu.memref_slice %arg6[%add3A_19, %dma_wait3A_67] : memref<51200x128xf32, #tpu.memory_space<hbm>> -> memref<400x128xf32, #tpu.memory_space<hbm>>
      tpu.wait_dma2 semaphore(%run_scoped3A : memref<!tpu.dma_semaphore, #tpu.memory_space<semaphore_mem>>) src(%arg10 : memref<400x128xf32, #tpu.memory_space<vmem>>) dst(%dma_wait3A_68 : memref<400x128xf32, #tpu.memory_space<hbm>>)
      tpu.yield
    }) : () -> ()
    %dma_start3A_20 = arith.constant 400 : i32
    %dma_start3A_21 = tpu.memref_slice %arg9[%dma_start3A_20] : memref<1600xi32, #tpu.memory_space<vmem>> -> memref<400xi32, #tpu.memory_space<vmem>>
    %dma_start3A_22 = arith.constant 0 : i32
    %dma_start3A_23 = arith.constant 0 : i32
    %dma_start3A_24 = tpu.memref_slice %arg2[%dma_start3A_22, %dma_start3A_23] : memref<100000x128xf32, #tpu.memory_space<hbm>> -> memref<100000x128xf32, #tpu.memory_space<hbm>>
    tpu.enqueue_indirect_dma source(%dma_start3A_24 : memref<100000x128xf32, #tpu.memory_space<hbm>>) target(%arg10 : memref<400x128xf32, #tpu.memory_space<vmem>>) offsets(%dma_start3A_21 : memref<400xi32, #tpu.memory_space<vmem>>) semaphore(%arg14 : memref<!tpu.dma_semaphore, #tpu.memory_space<semaphore_mem>>)
    %dma_wait3A_25 = arith.constant 400 : i32
    %dma_wait3A_26 = tpu.memref_slice %arg9[%dma_wait3A_25] : memref<1600xi32, #tpu.memory_space<vmem>> -> memref<400xi32, #tpu.memory_space<vmem>>
    %dma_wait3A_27 = arith.constant 0 : i32
    %dma_wait3A_28 = arith.constant 0 : i32
    %dma_wait3A_29 = tpu.memref_slice %arg2[%dma_wait3A_27, %dma_wait3A_28] : memref<100000x128xf32, #tpu.memory_space<hbm>> -> memref<100000x128xf32, #tpu.memory_space<hbm>>
    tpu.wait_indirect_dma semaphore(%arg14 : memref<!tpu.dma_semaphore, #tpu.memory_space<semaphore_mem>>) src(%dma_wait3A_29 : memref<100000x128xf32, #tpu.memory_space<hbm>>) dst(%arg10 : memref<400x128xf32, #tpu.memory_space<vmem>>)
    %add3A_30 = arith.constant 400 : i32
    %add3A_31 = arith.addi %mul3A_2, %add3A_30 : i32
    "tpu.region"() ({
      %run_scoped3A = tpu.sem_alloc : memref<!tpu.dma_semaphore, #tpu.memory_space<semaphore_mem>>
      %dma_start3A_61 = arith.constant 0 : i32
      %dma_start3A_62 = tpu.memref_slice %arg6[%add3A_31, %dma_start3A_61] : memref<51200x128xf32, #tpu.memory_space<hbm>> -> memref<400x128xf32, #tpu.memory_space<hbm>>
      %dma_start3A_63 = arith.constant 0 : i32
      %dma_start3A_64 = tpu.memref_slice %arg6[%add3A_31, %dma_start3A_63] : memref<51200x128xf32, #tpu.memory_space<hbm>> -> memref<400x128xf32, #tpu.memory_space<hbm>>
      tpu.enqueue_dma source(%arg10 : memref<400x128xf32, #tpu.memory_space<vmem>>) target(%dma_start3A_64 : memref<400x128xf32, #tpu.memory_space<hbm>>) target_semaphore(%run_scoped3A : memref<!tpu.dma_semaphore, #tpu.memory_space<semaphore_mem>>)
      %dma_wait3A_65 = arith.constant 0 : i32
      %dma_wait3A_66 = tpu.memref_slice %arg6[%add3A_31, %dma_wait3A_65] : memref<51200x128xf32, #tpu.memory_space<hbm>> -> memref<400x128xf32, #tpu.memory_space<hbm>>
      %dma_wait3A_67 = arith.constant 0 : i32
      %dma_wait3A_68 = tpu.memref_slice %arg6[%add3A_31, %dma_wait3A_67] : memref<51200x128xf32, #tpu.memory_space<hbm>> -> memref<400x128xf32, #tpu.memory_space<hbm>>
      tpu.wait_dma2 semaphore(%run_scoped3A : memref<!tpu.dma_semaphore, #tpu.memory_space<semaphore_mem>>) src(%arg10 : memref<400x128xf32, #tpu.memory_space<vmem>>) dst(%dma_wait3A_68 : memref<400x128xf32, #tpu.memory_space<hbm>>)
      tpu.yield
    }) : () -> ()
    %dma_start3A_32 = arith.constant 800 : i32
    %dma_start3A_33 = tpu.memref_slice %arg9[%dma_start3A_32] : memref<1600xi32, #tpu.memory_space<vmem>> -> memref<400xi32, #tpu.memory_space<vmem>>
    %dma_start3A_34 = arith.constant 0 : i32
    %dma_start3A_35 = arith.constant 0 : i32
    %dma_start3A_36 = tpu.memref_slice %arg2[%dma_start3A_34, %dma_start3A_35] : memref<100000x128xf32, #tpu.memory_space<hbm>> -> memref<100000x128xf32, #tpu.memory_space<hbm>>
    tpu.enqueue_indirect_dma source(%dma_start3A_36 : memref<100000x128xf32, #tpu.memory_space<hbm>>) target(%arg10 : memref<400x128xf32, #tpu.memory_space<vmem>>) offsets(%dma_start3A_33 : memref<400xi32, #tpu.memory_space<vmem>>) semaphore(%arg14 : memref<!tpu.dma_semaphore, #tpu.memory_space<semaphore_mem>>)
    %dma_wait3A_37 = arith.constant 800 : i32
    %dma_wait3A_38 = tpu.memref_slice %arg9[%dma_wait3A_37] : memref<1600xi32, #tpu.memory_space<vmem>> -> memref<400xi32, #tpu.memory_space<vmem>>
    %dma_wait3A_39 = arith.constant 0 : i32
    %dma_wait3A_40 = arith.constant 0 : i32
    %dma_wait3A_41 = tpu.memref_slice %arg2[%dma_wait3A_39, %dma_wait3A_40] : memref<100000x128xf32, #tpu.memory_space<hbm>> -> memref<100000x128xf32, #tpu.memory_space<hbm>>
    tpu.wait_indirect_dma semaphore(%arg14 : memref<!tpu.dma_semaphore, #tpu.memory_space<semaphore_mem>>) src(%dma_wait3A_41 : memref<100000x128xf32, #tpu.memory_space<hbm>>) dst(%arg10 : memref<400x128xf32, #tpu.memory_space<vmem>>)
    %add3A_42 = arith.constant 800 : i32
    %add3A_43 = arith.addi %mul3A_2, %add3A_42 : i32
    "tpu.region"() ({
      %run_scoped3A = tpu.sem_alloc : memref<!tpu.dma_semaphore, #tpu.memory_space<semaphore_mem>>
      %dma_start3A_61 = arith.constant 0 : i32
      %dma_start3A_62 = tpu.memref_slice %arg6[%add3A_43, %dma_start3A_61] : memref<51200x128xf32, #tpu.memory_space<hbm>> -> memref<400x128xf32, #tpu.memory_space<hbm>>
      %dma_start3A_63 = arith.constant 0 : i32
      %dma_start3A_64 = tpu.memref_slice %arg6[%add3A_43, %dma_start3A_63] : memref<51200x128xf32, #tpu.memory_space<hbm>> -> memref<400x128xf32, #tpu.memory_space<hbm>>
      tpu.enqueue_dma source(%arg10 : memref<400x128xf32, #tpu.memory_space<vmem>>) target(%dma_start3A_64 : memref<400x128xf32, #tpu.memory_space<hbm>>) target_semaphore(%run_scoped3A : memref<!tpu.dma_semaphore, #tpu.memory_space<semaphore_mem>>)
      %dma_wait3A_65 = arith.constant 0 : i32
      %dma_wait3A_66 = tpu.memref_slice %arg6[%add3A_43, %dma_wait3A_65] : memref<51200x128xf32, #tpu.memory_space<hbm>> -> memref<400x128xf32, #tpu.memory_space<hbm>>
      %dma_wait3A_67 = arith.constant 0 : i32
      %dma_wait3A_68 = tpu.memref_slice %arg6[%add3A_43, %dma_wait3A_67] : memref<51200x128xf32, #tpu.memory_space<hbm>> -> memref<400x128xf32, #tpu.memory_space<hbm>>
      tpu.wait_dma2 semaphore(%run_scoped3A : memref<!tpu.dma_semaphore, #tpu.memory_space<semaphore_mem>>) src(%arg10 : memref<400x128xf32, #tpu.memory_space<vmem>>) dst(%dma_wait3A_68 : memref<400x128xf32, #tpu.memory_space<hbm>>)
      tpu.yield
    }) : () -> ()
    %dma_start3A_44 = arith.constant 1200 : i32
    %dma_start3A_45 = tpu.memref_slice %arg9[%dma_start3A_44] : memref<1600xi32, #tpu.memory_space<vmem>> -> memref<400xi32, #tpu.memory_space<vmem>>
    %dma_start3A_46 = arith.constant 0 : i32
    %dma_start3A_47 = arith.constant 0 : i32
    %dma_start3A_48 = tpu.memref_slice %arg2[%dma_start3A_46, %dma_start3A_47] : memref<100000x128xf32, #tpu.memory_space<hbm>> -> memref<100000x128xf32, #tpu.memory_space<hbm>>
    tpu.enqueue_indirect_dma source(%dma_start3A_48 : memref<100000x128xf32, #tpu.memory_space<hbm>>) target(%arg10 : memref<400x128xf32, #tpu.memory_space<vmem>>) offsets(%dma_start3A_45 : memref<400xi32, #tpu.memory_space<vmem>>) semaphore(%arg14 : memref<!tpu.dma_semaphore, #tpu.memory_space<semaphore_mem>>)
    %dma_wait3A_49 = arith.constant 1200 : i32
    %dma_wait3A_50 = tpu.memref_slice %arg9[%dma_wait3A_49] : memref<1600xi32, #tpu.memory_space<vmem>> -> memref<400xi32, #tpu.memory_space<vmem>>
    %dma_wait3A_51 = arith.constant 0 : i32
    %dma_wait3A_52 = arith.constant 0 : i32
    %dma_wait3A_53 = tpu.memref_slice %arg2[%dma_wait3A_51, %dma_wait3A_52] : memref<100000x128xf32, #tpu.memory_space<hbm>> -> memref<100000x128xf32, #tpu.memory_space<hbm>>
    tpu.wait_indirect_dma semaphore(%arg14 : memref<!tpu.dma_semaphore, #tpu.memory_space<semaphore_mem>>) src(%dma_wait3A_53 : memref<100000x128xf32, #tpu.memory_space<hbm>>) dst(%arg10 : memref<400x128xf32, #tpu.memory_space<vmem>>)
    %add3A_54 = arith.constant 1200 : i32
    %add3A_55 = arith.addi %mul3A_2, %add3A_54 : i32
    "tpu.region"() ({
      %run_scoped3A = tpu.sem_alloc : memref<!tpu.dma_semaphore, #tpu.memory_space<semaphore_mem>>
      %dma_start3A_61 = arith.constant 0 : i32
      %dma_start3A_62 = tpu.memref_slice %arg6[%add3A_55, %dma_start3A_61] : memref<51200x128xf32, #tpu.memory_space<hbm>> -> memref<400x128xf32, #tpu.memory_space<hbm>>
      %dma_start3A_63 = arith.constant 0 : i32
      %dma_start3A_64 = tpu.memref_slice %arg6[%add3A_55, %dma_start3A_63] : memref<51200x128xf32, #tpu.memory_space<hbm>> -> memref<400x128xf32, #tpu.memory_space<hbm>>
      tpu.enqueue_dma source(%arg10 : memref<400x128xf32, #tpu.memory_space<vmem>>) target(%dma_start3A_64 : memref<400x128xf32, #tpu.memory_space<hbm>>) target_semaphore(%run_scoped3A : memref<!tpu.dma_semaphore, #tpu.memory_space<semaphore_mem>>)
      %dma_wait3A_65 = arith.constant 0 : i32
      %dma_wait3A_66 = tpu.memref_slice %arg6[%add3A_55, %dma_wait3A_65] : memref<51200x128xf32, #tpu.memory_space<hbm>> -> memref<400x128xf32, #tpu.memory_space<hbm>>
      %dma_wait3A_67 = arith.constant 0 : i32
      %dma_wait3A_68 = tpu.memref_slice %arg6[%add3A_55, %dma_wait3A_67] : memref<51200x128xf32, #tpu.memory_space<hbm>> -> memref<400x128xf32, #tpu.memory_space<hbm>>
      tpu.wait_dma2 semaphore(%run_scoped3A : memref<!tpu.dma_semaphore, #tpu.memory_space<semaphore_mem>>) src(%arg10 : memref<400x128xf32, #tpu.memory_space<vmem>>) dst(%dma_wait3A_68 : memref<400x128xf32, #tpu.memory_space<hbm>>)
      tpu.yield
    }) : () -> ()
    %dma_wait3A_56 = arith.constant 0 : i32
    %dma_wait3A_57 = tpu.memref_slice %arg4[%dma_wait3A_56] : memref<100000xi32, #tpu.memory_space<hbm>> -> memref<100000xi32, #tpu.memory_space<hbm>>
    tpu.wait_indirect_dma semaphore(%arg15 : memref<!tpu.dma_semaphore, #tpu.memory_space<semaphore_mem>>) src(%dma_wait3A_57 : memref<100000xi32, #tpu.memory_space<hbm>>) dst(%arg11 : memref<1600xi32, #tpu.memory_space<vmem>>)
    %dma_wait3A_58 = arith.constant 0 : i32
    %dma_wait3A_59 = arith.constant 0 : i32
    %dma_wait3A_60 = tpu.memref_slice %arg2[%dma_wait3A_58, %dma_wait3A_59] : memref<100000x128xf32, #tpu.memory_space<hbm>> -> memref<100000x128xf32, #tpu.memory_space<hbm>>
    tpu.wait_indirect_dma semaphore(%arg16 : memref<!tpu.dma_semaphore, #tpu.memory_space<semaphore_mem>>) src(%dma_wait3A_60 : memref<100000x128xf32, #tpu.memory_space<hbm>>) dst(%arg13 : memref<128x128xf32, #tpu.memory_space<vmem>>)
    "tpu.region"() ({
      %run_scoped3A = tpu.sem_alloc : memref<!tpu.dma_semaphore, #tpu.memory_space<semaphore_mem>>
      %dma_start3A_61 = tpu.memref_slice %arg7[%mul3A_2] : memref<51200xi32, #tpu.memory_space<hbm>> -> memref<1600xi32, #tpu.memory_space<hbm>>
      %dma_start3A_62 = tpu.memref_slice %arg7[%mul3A_2] : memref<51200xi32, #tpu.memory_space<hbm>> -> memref<1600xi32, #tpu.memory_space<hbm>>
      tpu.enqueue_dma source(%arg11 : memref<1600xi32, #tpu.memory_space<vmem>>) target(%dma_start3A_62 : memref<1600xi32, #tpu.memory_space<hbm>>) target_semaphore(%run_scoped3A : memref<!tpu.dma_semaphore, #tpu.memory_space<semaphore_mem>>)
      %dma_wait3A_63 = tpu.memref_slice %arg7[%mul3A_2] : memref<51200xi32, #tpu.memory_space<hbm>> -> memref<1600xi32, #tpu.memory_space<hbm>>
      %dma_wait3A_64 = tpu.memref_slice %arg7[%mul3A_2] : memref<51200xi32, #tpu.memory_space<hbm>> -> memref<1600xi32, #tpu.memory_space<hbm>>
      tpu.wait_dma2 semaphore(%run_scoped3A : memref<!tpu.dma_semaphore, #tpu.memory_space<semaphore_mem>>) src(%arg11 : memref<1600xi32, #tpu.memory_space<vmem>>) dst(%dma_wait3A_64 : memref<1600xi32, #tpu.memory_space<hbm>>)
      tpu.yield
    }) : () -> ()
    "tpu.region"() ({
      %run_scoped3A = tpu.sem_alloc : memref<!tpu.dma_semaphore, #tpu.memory_space<semaphore_mem>>
      %dma_start3A_61 = arith.constant 0 : i32
      %dma_start3A_62 = tpu.memref_slice %arg8[%mul3A_5, %dma_start3A_61] : memref<4096x128xf32, #tpu.memory_space<hbm>> -> memref<128x128xf32, #tpu.memory_space<hbm>>
      %dma_start3A_63 = arith.constant 0 : i32
      %dma_start3A_64 = tpu.memref_slice %arg8[%mul3A_5, %dma_start3A_63] : memref<4096x128xf32, #tpu.memory_space<hbm>> -> memref<128x128xf32, #tpu.memory_space<hbm>>
      tpu.enqueue_dma source(%arg13 : memref<128x128xf32, #tpu.memory_space<vmem>>) target(%dma_start3A_64 : memref<128x128xf32, #tpu.memory_space<hbm>>) target_semaphore(%run_scoped3A : memref<!tpu.dma_semaphore, #tpu.memory_space<semaphore_mem>>)
      %dma_wait3A_65 = arith.constant 0 : i32
      %dma_wait3A_66 = tpu.memref_slice %arg8[%mul3A_5, %dma_wait3A_65] : memref<4096x128xf32, #tpu.memory_space<hbm>> -> memref<128x128xf32, #tpu.memory_space<hbm>>
      %dma_wait3A_67 = arith.constant 0 : i32
      %dma_wait3A_68 = tpu.memref_slice %arg8[%mul3A_5, %dma_wait3A_67] : memref<4096x128xf32, #tpu.memory_space<hbm>> -> memref<128x128xf32, #tpu.memory_space<hbm>>
      tpu.wait_dma2 semaphore(%run_scoped3A : memref<!tpu.dma_semaphore, #tpu.memory_space<semaphore_mem>>) src(%arg13 : memref<128x128xf32, #tpu.memory_space<vmem>>) dst(%dma_wait3A_68 : memref<128x128xf32, #tpu.memory_space<hbm>>)
      tpu.yield
    }) : () -> ()
    return
  }
}

module attributes {stable_mosaic.version = 14 : i64} {
  func.func @_tables_body(%arg0: memref<4096x20xf32, #tpu.memory_space<vmem>>, %arg1: memref<4x20xf32, #tpu.memory_space<vmem>>, %arg2: memref<40x40xf32, #tpu.memory_space<vmem>>, %arg3: memref<1x40xf32, #tpu.memory_space<vmem>>, %arg4: memref<40x20xf32, #tpu.memory_space<vmem>>, %arg5: memref<1x20xf32, #tpu.memory_space<vmem>>, %arg6: memref<4096x20xf32, #tpu.memory_space<vmem>>, %arg7: memref<4096x1xf32, #tpu.memory_space<vmem>>) attributes {dimension_semantics = [], scalar_prefetch = 0 : i64, scratch_operands = 0 : i64, tpu.core_type = #tpu.core_type<tc>} {
    %get3A = arith.constant 0 : index
    %get3A_0 = arith.constant 0 : index
    %get3A_1 = vector.load %arg0[%get3A, %get3A_0] : memref<4096x20xf32, #tpu.memory_space<vmem>>, vector<4096x20xf32>
    %get3A_2 = arith.constant 2 : index
    %get3A_3 = arith.constant 0 : index
    %get3A_4 = vector.load %arg1[%get3A_2, %get3A_3] : memref<4x20xf32, #tpu.memory_space<vmem>>, vector<1x20xf32>
    %get3A_5 = arith.constant 0 : index
    %get3A_6 = arith.constant 0 : index
    %get3A_7 = vector.load %arg2[%get3A_5, %get3A_6] : memref<40x40xf32, #tpu.memory_space<vmem>>, vector<20x40xf32>
    %convert_element_type3A = arith.truncf %get3A_1 : vector<4096x20xf32> to vector<4096x20xbf16>
    %convert_element_type3A_8 = arith.truncf %get3A_7 : vector<20x40xf32> to vector<20x40xbf16>
    %dot_general3A = arith.constant dense<0.000000e+00> : vector<4096x40xf32>
    %dot_general3A_9 = tpu.matmul %convert_element_type3A, %convert_element_type3A_8, %dot_general3A {dimension_numbers = #tpu.dot_dimension_numbers<[1], [0], [0], [1], [0, 0, 1, 1], [], []>, transpose_lhs_hint = false} : vector<4096x20xbf16>, vector<20x40xbf16>, vector<4096x40xf32> -> vector<4096x40xf32>
    %get3A_10 = arith.constant 20 : index
    %get3A_11 = arith.constant 0 : index
    %get3A_12 = vector.load %arg2[%get3A_10, %get3A_11] : memref<40x40xf32, #tpu.memory_space<vmem>>, vector<20x40xf32>
    %convert_element_type3A_13 = arith.truncf %get3A_4 : vector<1x20xf32> to vector<1x20xbf16>
    %convert_element_type3A_14 = arith.truncf %get3A_12 : vector<20x40xf32> to vector<20x40xbf16>
    %dot_general3A_15 = arith.constant dense<0.000000e+00> : vector<1x40xf32>
    %dot_general3A_16 = tpu.matmul %convert_element_type3A_13, %convert_element_type3A_14, %dot_general3A_15 {dimension_numbers = #tpu.dot_dimension_numbers<[1], [0], [0], [1], [0, 0, 1, 1], [], []>, transpose_lhs_hint = false} : vector<1x20xbf16>, vector<20x40xbf16>, vector<1x40xf32> -> vector<1x40xf32>
    %add3A = vector.broadcast %dot_general3A_16 : vector<1x40xf32> to vector<4096x40xf32>
    %add3A_17 = arith.addf %dot_general3A_9, %add3A : vector<4096x40xf32>
    %get3A_18 = arith.constant 0 : index
    %get3A_19 = arith.constant 0 : index
    %get3A_20 = vector.load %arg3[%get3A_18, %get3A_19] : memref<1x40xf32, #tpu.memory_space<vmem>>, vector<1x40xf32>
    %add3A_21 = vector.broadcast %get3A_20 : vector<1x40xf32> to vector<4096x40xf32>
    %add3A_22 = arith.addf %add3A_17, %add3A_21 : vector<4096x40xf32>
    %max3A = arith.constant 0.000000e+00 : f32
    %max3A_23 = vector.broadcast %max3A : f32 to vector<4096x40xf32>
    %max3A_24 = arith.maximumf %add3A_22, %max3A_23 : vector<4096x40xf32>
    %get3A_25 = arith.constant 0 : index
    %get3A_26 = arith.constant 0 : index
    %get3A_27 = vector.load %arg4[%get3A_25, %get3A_26] : memref<40x20xf32, #tpu.memory_space<vmem>>, vector<40x20xf32>
    %convert_element_type3A_28 = arith.truncf %max3A_24 : vector<4096x40xf32> to vector<4096x40xbf16>
    %convert_element_type3A_29 = arith.truncf %get3A_27 : vector<40x20xf32> to vector<40x20xbf16>
    %dot_general3A_30 = arith.constant dense<0.000000e+00> : vector<4096x20xf32>
    %dot_general3A_31 = tpu.matmul %convert_element_type3A_28, %convert_element_type3A_29, %dot_general3A_30 {dimension_numbers = #tpu.dot_dimension_numbers<[1], [0], [0], [1], [0, 0, 1, 1], [], []>, transpose_lhs_hint = false} : vector<4096x40xbf16>, vector<40x20xbf16>, vector<4096x20xf32> -> vector<4096x20xf32>
    %get3A_32 = arith.constant 0 : index
    %get3A_33 = arith.constant 0 : index
    %get3A_34 = vector.load %arg5[%get3A_32, %get3A_33] : memref<1x20xf32, #tpu.memory_space<vmem>>, vector<1x20xf32>
    %add3A_35 = vector.broadcast %get3A_34 : vector<1x20xf32> to vector<4096x20xf32>
    %add3A_36 = arith.addf %dot_general3A_31, %add3A_35 : vector<4096x20xf32>
    %swap3A = arith.constant 0 : index
    %swap3A_37 = arith.constant 0 : index
    %swap3A_38 = vector.load %arg6[%swap3A, %swap3A_37] : memref<4096x20xf32, #tpu.memory_space<vmem>>, vector<4096x20xf32>
    tpu.vector_store %arg6[%swap3A, %swap3A_37], %add3A_36 {strides = array<i32>} : memref<4096x20xf32, #tpu.memory_space<vmem>>, vector<4096x20xf32>,
    %mul3A = arith.mulf %add3A_36, %add3A_36 : vector<4096x20xf32>
    %reduce_sum3A = arith.constant dense<0.000000e+00> : vector<4096xf32>
    %reduce_sum3A_39 = vector.multi_reduction <add>, %mul3A, %reduce_sum3A [1] : vector<4096x20xf32> to vector<4096xf32>
    %broadcast_in_dim3A = vector.shape_cast %reduce_sum3A_39 : vector<4096xf32> to vector<4096x1xf32>
    %swap3A_40 = arith.constant 0 : index
    %swap3A_41 = arith.constant 0 : index
    %swap3A_42 = vector.load %arg7[%swap3A_40, %swap3A_41] : memref<4096x1xf32, #tpu.memory_space<vmem>>, vector<4096x1xf32>
    tpu.vector_store %arg7[%swap3A_40, %swap3A_41], %broadcast_in_dim3A {strides = array<i32>} : memref<4096x1xf32, #tpu.memory_space<vmem>>, vector<4096x1xf32>,
    return
  }
}

module attributes {stable_mosaic.version = 14 : i64} {
  func.func @_main_body(%arg0: i32, %arg1: memref<1x1024x128xf32, #tpu.memory_space<vmem>>, %arg2: memref<1x1024x128xf32, #tpu.memory_space<vmem>>, %arg3: memref<1x1024x128xf32, #tpu.memory_space<vmem>>, %arg4: memref<1x1024x128xf32, #tpu.memory_space<vmem>>, %arg5: memref<1x1024x128xf32, #tpu.memory_space<vmem>>, %arg6: memref<1x1x1024xi32, #tpu.memory_space<vmem>>, %arg7: memref<1x1x1024xi32, #tpu.memory_space<vmem>>, %arg8: memref<1280x64xf32, #tpu.memory_space<vmem>>, %arg9: memref<64x64xf32, #tpu.memory_space<vmem>>, %arg10: memref<1280x64xf32, #tpu.memory_space<vmem>>, %arg11: memref<100x40xf32, #tpu.memory_space<vmem>>, %arg12: memref<1x40xf32, #tpu.memory_space<vmem>>, %arg13: memref<40x20xf32, #tpu.memory_space<vmem>>, %arg14: memref<1x20xf32, #tpu.memory_space<vmem>>, %arg15: memref<40x40xf32, #tpu.memory_space<vmem>>, %arg16: memref<1x40xf32, #tpu.memory_space<vmem>>, %arg17: memref<40x20xf32, #tpu.memory_space<vmem>>, %arg18: memref<1x20xf32, #tpu.memory_space<vmem>>, %arg19: memref<4x20xf32, #tpu.memory_space<vmem>>, %arg20: memref<1x1024x20xf32, #tpu.memory_space<vmem>>) attributes {dimension_semantics = [#tpu.dimension_semantics<arbitrary>], iteration_bounds = array<i64: 50>, scalar_prefetch = 0 : i64, scratch_operands = 0 : i64, tpu.core_type = #tpu.core_type<tc>, window_params = [{transform_indices = @transform_0, window_bounds = array<i64: 1, 1024, 128>}, {transform_indices = @transform_1, window_bounds = array<i64: 1, 1024, 128>}, {transform_indices = @transform_2, window_bounds = array<i64: 1, 1024, 128>}, {transform_indices = @transform_3, window_bounds = array<i64: 1, 1024, 128>}, {transform_indices = @transform_4, window_bounds = array<i64: 1, 1024, 128>}, {transform_indices = @transform_5, window_bounds = array<i64: 1, 1, 1024>}, {transform_indices = @transform_6, window_bounds = array<i64: 1, 1, 1024>}, {pipeline_mode = #tpu.pipeline_mode<synchronous>, transform_indices = @transform_7, window_bounds = array<i64: 1280, 64>}, {pipeline_mode = #tpu.pipeline_mode<synchronous>, transform_indices = @transform_8, window_bounds = array<i64: 64, 64>}, {pipeline_mode = #tpu.pipeline_mode<synchronous>, transform_indices = @transform_9, window_bounds = array<i64: 1280, 64>}, {pipeline_mode = #tpu.pipeline_mode<synchronous>, transform_indices = @transform_10, window_bounds = array<i64: 100, 40>}, {pipeline_mode = #tpu.pipeline_mode<synchronous>, transform_indices = @transform_11, window_bounds = array<i64: 1, 40>}, {pipeline_mode = #tpu.pipeline_mode<synchronous>, transform_indices = @transform_12, window_bounds = array<i64: 40, 20>}, {pipeline_mode = #tpu.pipeline_mode<synchronous>, transform_indices = @transform_13, window_bounds = array<i64: 1, 20>}, {pipeline_mode = #tpu.pipeline_mode<synchronous>, transform_indices = @transform_14, window_bounds = array<i64: 40, 40>}, {pipeline_mode = #tpu.pipeline_mode<synchronous>, transform_indices = @transform_15, window_bounds = array<i64: 1, 40>}, {pipeline_mode = #tpu.pipeline_mode<synchronous>, transform_indices = @transform_16, window_bounds = array<i64: 40, 20>}, {pipeline_mode = #tpu.pipeline_mode<synchronous>, transform_indices = @transform_17, window_bounds = array<i64: 1, 20>}, {pipeline_mode = #tpu.pipeline_mode<synchronous>, transform_indices = @transform_18, window_bounds = array<i64: 4, 20>}, {transform_indices = @transform_19, window_bounds = array<i64: 1, 1024, 20>}]} {
    %get3A = arith.constant 0 : index
    %get3A_0 = arith.constant 0 : index
    %get3A_1 = arith.constant 0 : index
    %get3A_2 = vector.load %arg5[%get3A, %get3A_0, %get3A_1] : memref<1x1024x128xf32, #tpu.memory_space<vmem>>, vector<1x1024x128xf32>
    %get3A_3 = vector.shape_cast %get3A_2 : vector<1x1024x128xf32> to vector<1024x128xf32>
    %slice3A = vector.extract_strided_slice %get3A_3 {offsets = [0, 0], sizes = [1024, 20], strides = [1, 1]} : vector<1024x128xf32> to vector<1024x20xf32>
    %get3A_4 = arith.constant 0 : index
    %get3A_5 = arith.constant 0 : index
    %get3A_6 = arith.constant 0 : index
    %get3A_7 = vector.load %arg6[%get3A_4, %get3A_5, %get3A_6] : memref<1x1x1024xi32, #tpu.memory_space<vmem>>, vector<1x1x1024xi32>
    %get3A_8 = vector.shape_cast %get3A_7 : vector<1x1x1024xi32> to vector<1024xi32>
    %get3A_9 = arith.constant 0 : index
    %get3A_10 = arith.constant 0 : index
    %get3A_11 = arith.constant 0 : index
    %get3A_12 = vector.load %arg7[%get3A_9, %get3A_10, %get3A_11] : memref<1x1x1024xi32, #tpu.memory_space<vmem>>, vector<1x1x1024xi32>
    %get3A_13 = vector.shape_cast %get3A_12 : vector<1x1x1024xi32> to vector<1024xi32>
    %get3A_14 = arith.constant 0 : index
    %get3A_15 = arith.constant 0 : index
    %get3A_16 = arith.constant 0 : index
    %get3A_17 = vector.load %arg1[%get3A_14, %get3A_15, %get3A_16] : memref<1x1024x128xf32, #tpu.memory_space<vmem>>, vector<1x1024x128xf32>
    %get3A_18 = vector.shape_cast %get3A_17 : vector<1x1024x128xf32> to vector<1024x128xf32>
    %slice3A_19 = vector.extract_strided_slice %get3A_18 {offsets = [0, 0], sizes = [1024, 20], strides = [1, 1]} : vector<1024x128xf32> to vector<1024x20xf32>
    %get3A_20 = arith.constant 0 : index
    %get3A_21 = arith.constant 0 : index
    %get3A_22 = vector.load %arg11[%get3A_20, %get3A_21] : memref<100x40xf32, #tpu.memory_space<vmem>>, vector<20x40xf32>
    %convert_element_type3A = arith.truncf %slice3A_19 : vector<1024x20xf32> to vector<1024x20xbf16>
    %convert_element_type3A_23 = arith.truncf %get3A_22 : vector<20x40xf32> to vector<20x40xbf16>
    %dot_general3A = arith.constant dense<0.000000e+00> : vector<1024x40xf32>
    %dot_general3A_24 = tpu.matmul %convert_element_type3A, %convert_element_type3A_23, %dot_general3A {dimension_numbers = #tpu.dot_dimension_numbers<[1], [0], [0], [1], [0, 0, 1, 1], [], []>, transpose_lhs_hint = false} : vector<1024x20xbf16>, vector<20x40xbf16>, vector<1024x40xf32> -> vector<1024x40xf32>
    %get3A_25 = arith.constant 0 : index
    %get3A_26 = arith.constant 0 : index
    %get3A_27 = arith.constant 0 : index
    %get3A_28 = vector.load %arg2[%get3A_25, %get3A_26, %get3A_27] : memref<1x1024x128xf32, #tpu.memory_space<vmem>>, vector<1x1024x128xf32>
    %get3A_29 = vector.shape_cast %get3A_28 : vector<1x1024x128xf32> to vector<1024x128xf32>
    %slice3A_30 = vector.extract_strided_slice %get3A_29 {offsets = [0, 0], sizes = [1024, 20], strides = [1, 1]} : vector<1024x128xf32> to vector<1024x20xf32>
    %get3A_31 = arith.constant 20 : index
    %get3A_32 = arith.constant 0 : index
    %get3A_33 = vector.load %arg11[%get3A_31, %get3A_32] : memref<100x40xf32, #tpu.memory_space<vmem>>, vector<20x40xf32>
    %convert_element_type3A_34 = arith.truncf %slice3A_30 : vector<1024x20xf32> to vector<1024x20xbf16>
    %convert_element_type3A_35 = arith.truncf %get3A_33 : vector<20x40xf32> to vector<20x40xbf16>
    %dot_general3A_36 = arith.constant dense<0.000000e+00> : vector<1024x40xf32>
    %dot_general3A_37 = tpu.matmul %convert_element_type3A_34, %convert_element_type3A_35, %dot_general3A_36 {dimension_numbers = #tpu.dot_dimension_numbers<[1], [0], [0], [1], [0, 0, 1, 1], [], []>, transpose_lhs_hint = false} : vector<1024x20xbf16>, vector<20x40xbf16>, vector<1024x40xf32> -> vector<1024x40xf32>
    %add3A = arith.addf %dot_general3A_24, %dot_general3A_37 : vector<1024x40xf32>
    %get3A_38 = arith.constant 0 : index
    %get3A_39 = arith.constant 0 : index
    %get3A_40 = arith.constant 0 : index
    %get3A_41 = vector.load %arg3[%get3A_38, %get3A_39, %get3A_40] : memref<1x1024x128xf32, #tpu.memory_space<vmem>>, vector<1x1024x128xf32>
    %get3A_42 = vector.shape_cast %get3A_41 : vector<1x1024x128xf32> to vector<1024x128xf32>
    %slice3A_43 = vector.extract_strided_slice %get3A_42 {offsets = [0, 0], sizes = [1024, 20], strides = [1, 1]} : vector<1024x128xf32> to vector<1024x20xf32>
    %get3A_44 = arith.constant 40 : index
    %get3A_45 = arith.constant 0 : index
    %get3A_46 = vector.load %arg11[%get3A_44, %get3A_45] : memref<100x40xf32, #tpu.memory_space<vmem>>, vector<20x40xf32>
    %convert_element_type3A_47 = arith.truncf %slice3A_43 : vector<1024x20xf32> to vector<1024x20xbf16>
    %convert_element_type3A_48 = arith.truncf %get3A_46 : vector<20x40xf32> to vector<20x40xbf16>
    %dot_general3A_49 = arith.constant dense<0.000000e+00> : vector<1024x40xf32>
    %dot_general3A_50 = tpu.matmul %convert_element_type3A_47, %convert_element_type3A_48, %dot_general3A_49 {dimension_numbers = #tpu.dot_dimension_numbers<[1], [0], [0], [1], [0, 0, 1, 1], [], []>, transpose_lhs_hint = false} : vector<1024x20xbf16>, vector<20x40xbf16>, vector<1024x40xf32> -> vector<1024x40xf32>
    %add3A_51 = arith.addf %add3A, %dot_general3A_50 : vector<1024x40xf32>
    %get3A_52 = arith.constant 0 : index
    %get3A_53 = arith.constant 0 : index
    %get3A_54 = arith.constant 0 : index
    %get3A_55 = vector.load %arg4[%get3A_52, %get3A_53, %get3A_54] : memref<1x1024x128xf32, #tpu.memory_space<vmem>>, vector<1x1024x128xf32>
    %get3A_56 = vector.shape_cast %get3A_55 : vector<1x1024x128xf32> to vector<1024x128xf32>
    %slice3A_57 = vector.extract_strided_slice %get3A_56 {offsets = [0, 0], sizes = [1024, 20], strides = [1, 1]} : vector<1024x128xf32> to vector<1024x20xf32>
    %get3A_58 = arith.constant 60 : index
    %get3A_59 = arith.constant 0 : index
    %get3A_60 = vector.load %arg11[%get3A_58, %get3A_59] : memref<100x40xf32, #tpu.memory_space<vmem>>, vector<20x40xf32>
    %convert_element_type3A_61 = arith.truncf %slice3A_57 : vector<1024x20xf32> to vector<1024x20xbf16>
    %convert_element_type3A_62 = arith.truncf %get3A_60 : vector<20x40xf32> to vector<20x40xbf16>
    %dot_general3A_63 = arith.constant dense<0.000000e+00> : vector<1024x40xf32>
    %dot_general3A_64 = tpu.matmul %convert_element_type3A_61, %convert_element_type3A_62, %dot_general3A_63 {dimension_numbers = #tpu.dot_dimension_numbers<[1], [0], [0], [1], [0, 0, 1, 1], [], []>, transpose_lhs_hint = false} : vector<1024x20xbf16>, vector<20x40xbf16>, vector<1024x40xf32> -> vector<1024x40xf32>
    %add3A_65 = arith.addf %add3A_51, %dot_general3A_64 : vector<1024x40xf32>
    %get3A_66 = arith.constant 80 : index
    %get3A_67 = arith.constant 0 : index
    %get3A_68 = vector.load %arg11[%get3A_66, %get3A_67] : memref<100x40xf32, #tpu.memory_space<vmem>>, vector<20x40xf32>
    %convert_element_type3A_69 = arith.truncf %slice3A : vector<1024x20xf32> to vector<1024x20xbf16>
    %convert_element_type3A_70 = arith.truncf %get3A_68 : vector<20x40xf32> to vector<20x40xbf16>
    %dot_general3A_71 = arith.constant dense<0.000000e+00> : vector<1024x40xf32>
    %dot_general3A_72 = tpu.matmul %convert_element_type3A_69, %convert_element_type3A_70, %dot_general3A_71 {dimension_numbers = #tpu.dot_dimension_numbers<[1], [0], [0], [1], [0, 0, 1, 1], [], []>, transpose_lhs_hint = false} : vector<1024x20xbf16>, vector<20x40xbf16>, vector<1024x40xf32> -> vector<1024x40xf32>
    %add3A_73 = arith.addf %add3A_65, %dot_general3A_72 : vector<1024x40xf32>
    %get3A_74 = arith.constant 0 : index
    %get3A_75 = arith.constant 0 : index
    %get3A_76 = vector.load %arg12[%get3A_74, %get3A_75] : memref<1x40xf32, #tpu.memory_space<vmem>>, vector<1x40xf32>
    %add3A_77 = vector.broadcast %get3A_76 : vector<1x40xf32> to vector<1024x40xf32>
    %add3A_78 = arith.addf %add3A_73, %add3A_77 : vector<1024x40xf32>
    %max3A = arith.constant 0.000000e+00 : f32
    %max3A_79 = vector.broadcast %max3A : f32 to vector<1024x40xf32>
    %max3A_80 = arith.maximumf %add3A_78, %max3A_79 : vector<1024x40xf32>
    %get3A_81 = arith.constant 0 : index
    %get3A_82 = arith.constant 0 : index
    %get3A_83 = vector.load %arg13[%get3A_81, %get3A_82] : memref<40x20xf32, #tpu.memory_space<vmem>>, vector<40x20xf32>
    %convert_element_type3A_84 = arith.truncf %max3A_80 : vector<1024x40xf32> to vector<1024x40xbf16>
    %convert_element_type3A_85 = arith.truncf %get3A_83 : vector<40x20xf32> to vector<40x20xbf16>
    %dot_general3A_86 = arith.constant dense<0.000000e+00> : vector<1024x20xf32>
    %dot_general3A_87 = tpu.matmul %convert_element_type3A_84, %convert_element_type3A_85, %dot_general3A_86 {dimension_numbers = #tpu.dot_dimension_numbers<[1], [0], [0], [1], [0, 0, 1, 1], [], []>, transpose_lhs_hint = false} : vector<1024x40xbf16>, vector<40x20xbf16>, vector<1024x20xf32> -> vector<1024x20xf32>
    %get3A_88 = arith.constant 0 : index
    %get3A_89 = arith.constant 0 : index
    %get3A_90 = vector.load %arg14[%get3A_88, %get3A_89] : memref<1x20xf32, #tpu.memory_space<vmem>>, vector<1x20xf32>
    %add3A_91 = vector.broadcast %get3A_90 : vector<1x20xf32> to vector<1024x20xf32>
    %add3A_92 = arith.addf %dot_general3A_87, %add3A_91 : vector<1024x20xf32>
    %jit3A = arith.constant 24 : i32
    %eq3A = arith.constant 0 : i32
    %eq3A_93 = arith.cmpi eq, %jit3A, %eq3A : i32
    %jit3A_94 = arith.constant 1 : i32
    %select_n3A = arith.select %eq3A_93, %jit3A_94, %jit3A : i32
    %rem3A = vector.broadcast %select_n3A : i32 to vector<1024xi32>
    %rem3A_95 = arith.remsi %get3A_8, %rem3A : vector<1024xi32>
    %ne3A = arith.constant 0 : i32
    %ne3A_96 = vector.broadcast %ne3A : i32 to vector<1024xi32>
    %ne3A_97 = arith.cmpi ne, %rem3A_95, %ne3A_96 : vector<1024xi32>
    %lt3A = arith.constant 0 : i32
    %lt3A_98 = vector.broadcast %lt3A : i32 to vector<1024xi32>
    %lt3A_99 = arith.cmpi slt, %rem3A_95, %lt3A_98 : vector<1024xi32>
    %lt3A_100 = arith.constant 0 : i32
    %lt3A_101 = arith.cmpi slt, %select_n3A, %lt3A_100 : i32
    %ne3A_102 = vector.broadcast %lt3A_101 : i1 to vector<1024xi1>
    %ne3A_103 = vector.broadcast %ne3A_102 : vector<1024xi1> to vector<1024xi1>
    %ne3A_104 = arith.xori %lt3A_99, %ne3A_103 : vector<1024xi1>
    %and3A = arith.andi %ne3A_104, %ne3A_97 : vector<1024xi1>
    %add3A_105 = vector.broadcast %select_n3A : i32 to vector<1024xi32>
    %add3A_106 = arith.addi %rem3A_95, %add3A_105 : vector<1024xi32>
    %select_n3A_107 = arith.select %and3A, %add3A_106, %rem3A_95 : vector<1024xi1>, vector<1024xi32>
    %ge3A = arith.constant 22 : i32
    %ge3A_108 = vector.broadcast %ge3A : i32 to vector<1024xi32>
    %ge3A_109 = arith.cmpi sge, %select_n3A_107, %ge3A_108 : vector<1024xi32>
    %lt3A_110 = arith.constant 6 : i32
    %lt3A_111 = vector.broadcast %lt3A_110 : i32 to vector<1024xi32>
    %lt3A_112 = arith.cmpi slt, %select_n3A_107, %lt3A_111 : vector<1024xi32>
    %or3A = arith.ori %ge3A_109, %lt3A_112 : vector<1024xi1>
    %ge3A_113 = arith.constant 6 : i32
    %ge3A_114 = vector.broadcast %ge3A_113 : i32 to vector<1024xi32>
    %ge3A_115 = arith.cmpi sge, %select_n3A_107, %ge3A_114 : vector<1024xi32>
    %lt3A_116 = arith.constant 14 : i32
    %lt3A_117 = vector.broadcast %lt3A_116 : i32 to vector<1024xi32>
    %lt3A_118 = arith.cmpi slt, %select_n3A_107, %lt3A_117 : vector<1024xi32>
    %and3A_119 = arith.andi %ge3A_115, %lt3A_118 : vector<1024xi1>
    %or3A_120 = arith.ori %or3A, %and3A_119 : vector<1024xi1>
    %not3A = arith.constant dense<true> : vector<1024xi1>
    %not3A_121 = arith.xori %or3A_120, %not3A : vector<1024xi1>
    %get3A_122 = arith.constant 0 : index
    %get3A_123 = arith.constant 0 : index
    %get3A_124 = vector.load %arg19[%get3A_122, %get3A_123] : memref<4x20xf32, #tpu.memory_space<vmem>>, vector<3x20xf32>
    %get3A_125 = arith.constant 20 : index
    %get3A_126 = arith.constant 0 : index
    %get3A_127 = vector.load %arg15[%get3A_125, %get3A_126] : memref<40x40xf32, #tpu.memory_space<vmem>>, vector<20x40xf32>
    %convert_element_type3A_128 = arith.truncf %get3A_124 : vector<3x20xf32> to vector<3x20xbf16>
    %convert_element_type3A_129 = arith.truncf %get3A_127 : vector<20x40xf32> to vector<20x40xbf16>
    %dot_general3A_130 = arith.constant dense<0.000000e+00> : vector<3x40xf32>
    %dot_general3A_131 = tpu.matmul %convert_element_type3A_128, %convert_element_type3A_129, %dot_general3A_130 {dimension_numbers = #tpu.dot_dimension_numbers<[1], [0], [0], [1], [0, 0, 1, 1], [], []>, transpose_lhs_hint = false} : vector<3x20xbf16>, vector<20x40xbf16>, vector<3x40xf32> -> vector<3x40xf32>
    %convert_element_type3A_132 = arith.extui %or3A : vector<1024xi1> to vector<1024xi32>
    %convert_element_type3A_133 = arith.sitofp %convert_element_type3A_132 : vector<1024xi32> to vector<1024xf32>
    %broadcast_in_dim3A = vector.shape_cast %convert_element_type3A_133 : vector<1024xf32> to vector<1024x1xf32>
    %slice3A_134 = vector.extract_strided_slice %dot_general3A_131 {offsets = [0, 0], sizes = [1, 40], strides = [1, 1]} : vector<3x40xf32> to vector<1x40xf32>
    %mul3A = vector.broadcast %broadcast_in_dim3A : vector<1024x1xf32> to vector<1024x40xf32>
    %mul3A_135 = vector.broadcast %slice3A_134 : vector<1x40xf32> to vector<1024x40xf32>
    %mul3A_136 = arith.mulf %mul3A, %mul3A_135 : vector<1024x40xf32>
    %convert_element_type3A_137 = arith.extui %and3A_119 : vector<1024xi1> to vector<1024xi32>
    %convert_element_type3A_138 = arith.sitofp %convert_element_type3A_137 : vector<1024xi32> to vector<1024xf32>
    %broadcast_in_dim3A_139 = vector.shape_cast %convert_element_type3A_138 : vector<1024xf32> to vector<1024x1xf32>
    %slice3A_140 = vector.extract_strided_slice %dot_general3A_131 {offsets = [1, 0], sizes = [1, 40], strides = [1, 1]} : vector<3x40xf32> to vector<1x40xf32>
    %mul3A_141 = vector.broadcast %broadcast_in_dim3A_139 : vector<1024x1xf32> to vector<1024x40xf32>
    %mul3A_142 = vector.broadcast %slice3A_140 : vector<1x40xf32> to vector<1024x40xf32>
    %mul3A_143 = arith.mulf %mul3A_141, %mul3A_142 : vector<1024x40xf32>
    %add3A_144 = arith.addf %mul3A_136, %mul3A_143 : vector<1024x40xf32>
    %convert_element_type3A_145 = arith.extui %not3A_121 : vector<1024xi1> to vector<1024xi32>
    %convert_element_type3A_146 = arith.sitofp %convert_element_type3A_145 : vector<1024xi32> to vector<1024xf32>
    %broadcast_in_dim3A_147 = vector.shape_cast %convert_element_type3A_146 : vector<1024xf32> to vector<1024x1xf32>
    %slice3A_148 = vector.extract_strided_slice %dot_general3A_131 {offsets = [2, 0], sizes = [1, 40], strides = [1, 1]} : vector<3x40xf32> to vector<1x40xf32>
    %mul3A_149 = vector.broadcast %broadcast_in_dim3A_147 : vector<1024x1xf32> to vector<1024x40xf32>
    %mul3A_150 = vector.broadcast %slice3A_148 : vector<1x40xf32> to vector<1024x40xf32>
    %mul3A_151 = arith.mulf %mul3A_149, %mul3A_150 : vector<1024x40xf32>
    %add3A_152 = arith.addf %add3A_144, %mul3A_151 : vector<1024x40xf32>
    %get3A_153 = arith.constant 0 : index
    %get3A_154 = arith.constant 0 : index
    %get3A_155 = vector.load %arg15[%get3A_153, %get3A_154] : memref<40x40xf32, #tpu.memory_space<vmem>>, vector<20x40xf32>
    %convert_element_type3A_156 = arith.truncf %slice3A : vector<1024x20xf32> to vector<1024x20xbf16>
    %convert_element_type3A_157 = arith.truncf %get3A_155 : vector<20x40xf32> to vector<20x40xbf16>
    %dot_general3A_158 = arith.constant dense<0.000000e+00> : vector<1024x40xf32>
    %dot_general3A_159 = tpu.matmul %convert_element_type3A_156, %convert_element_type3A_157, %dot_general3A_158 {dimension_numbers = #tpu.dot_dimension_numbers<[1], [0], [0], [1], [0, 0, 1, 1], [], []>, transpose_lhs_hint = false} : vector<1024x20xbf16>, vector<20x40xbf16>, vector<1024x40xf32> -> vector<1024x40xf32>
    %add3A_160 = arith.addf %dot_general3A_159, %add3A_152 : vector<1024x40xf32>
    %get3A_161 = arith.constant 0 : index
    %get3A_162 = arith.constant 0 : index
    %get3A_163 = vector.load %arg16[%get3A_161, %get3A_162] : memref<1x40xf32, #tpu.memory_space<vmem>>, vector<1x40xf32>
    %add3A_164 = vector.broadcast %get3A_163 : vector<1x40xf32> to vector<1024x40xf32>
    %add3A_165 = arith.addf %add3A_160, %add3A_164 : vector<1024x40xf32>
    %max3A_166 = arith.constant 0.000000e+00 : f32
    %max3A_167 = vector.broadcast %max3A_166 : f32 to vector<1024x40xf32>
    %max3A_168 = arith.maximumf %add3A_165, %max3A_167 : vector<1024x40xf32>
    %get3A_169 = arith.constant 0 : index
    %get3A_170 = arith.constant 0 : index
    %get3A_171 = vector.load %arg17[%get3A_169, %get3A_170] : memref<40x20xf32, #tpu.memory_space<vmem>>, vector<40x20xf32>
    %convert_element_type3A_172 = arith.truncf %max3A_168 : vector<1024x40xf32> to vector<1024x40xbf16>
    %convert_element_type3A_173 = arith.truncf %get3A_171 : vector<40x20xf32> to vector<40x20xbf16>
    %dot_general3A_174 = arith.constant dense<0.000000e+00> : vector<1024x20xf32>
    %dot_general3A_175 = tpu.matmul %convert_element_type3A_172, %convert_element_type3A_173, %dot_general3A_174 {dimension_numbers = #tpu.dot_dimension_numbers<[1], [0], [0], [1], [0, 0, 1, 1], [], []>, transpose_lhs_hint = false} : vector<1024x40xbf16>, vector<40x20xbf16>, vector<1024x20xf32> -> vector<1024x20xf32>
    %get3A_176 = arith.constant 0 : index
    %get3A_177 = arith.constant 0 : index
    %get3A_178 = vector.load %arg18[%get3A_176, %get3A_177] : memref<1x20xf32, #tpu.memory_space<vmem>>, vector<1x20xf32>
    %add3A_179 = vector.broadcast %get3A_178 : vector<1x20xf32> to vector<1024x20xf32>
    %add3A_180 = arith.addf %dot_general3A_175, %add3A_179 : vector<1024x20xf32>
    %add3A_181 = arith.addf %add3A_92, %add3A_180 : vector<1024x20xf32>
    %mul3A_182 = arith.constant 5.000000e-01 : f32
    %mul3A_183 = vector.broadcast %mul3A_182 : f32 to vector<1024x20xf32>
    %mul3A_184 = arith.mulf %add3A_181, %mul3A_183 : vector<1024x20xf32>
    %iota3A = tpu.iota {dimensions = array<i32: 0>} : vector<64x1024xi32>
    %broadcast_in_dim3A_185 = vector.shape_cast %get3A_13 : vector<1024xi32> to vector<1x1024xi32>
    %eq3A_186 = vector.broadcast %broadcast_in_dim3A_185 : vector<1x1024xi32> to vector<64x1024xi32>
    %eq3A_187 = arith.cmpi eq, %eq3A_186, %iota3A : vector<64x1024xi32>
    %convert_element_type3A_188 = arith.extui %eq3A_187 : vector<64x1024xi1> to vector<64x1024xi32>
    %convert_element_type3A_189 = arith.sitofp %convert_element_type3A_188 : vector<64x1024xi32> to vector<64x1024xf32>
    %convert_element_type3A_190 = arith.truncf %convert_element_type3A_189 : vector<64x1024xf32> to vector<64x1024xbf16>
    %get3A_191 = arith.constant 0 : index
    %get3A_192 = arith.constant 0 : index
    %get3A_193 = vector.load %arg8[%get3A_191, %get3A_192] : memref<1280x64xf32, #tpu.memory_space<vmem>>, vector<1280x64xf32>
    %convert_element_type3A_194 = arith.truncf %get3A_193 : vector<1280x64xf32> to vector<1280x64xbf16>
    %convert_element_type3A_195 = arith.extf %convert_element_type3A_194 : vector<1280x64xbf16> to vector<1280x64xf32>
    %sub3A = arith.subf %get3A_193, %convert_element_type3A_195 : vector<1280x64xf32>
    %convert_element_type3A_196 = arith.truncf %sub3A : vector<1280x64xf32> to vector<1280x64xbf16>
    %convert_element_type3A_197 = arith.extf %convert_element_type3A_196 : vector<1280x64xbf16> to vector<1280x64xf32>
    %sub3A_198 = arith.subf %sub3A, %convert_element_type3A_197 : vector<1280x64xf32>
    %convert_element_type3A_199 = arith.truncf %sub3A_198 : vector<1280x64xf32> to vector<1280x64xbf16>
    %dot_general3A_200 = arith.constant dense<0.000000e+00> : vector<1280x1024xf32>
    %dot_general3A_201 = tpu.matmul %convert_element_type3A_194, %convert_element_type3A_190, %dot_general3A_200 {dimension_numbers = #tpu.dot_dimension_numbers<[1], [0], [0], [1], [0, 0, 1, 1], [], []>, transpose_lhs_hint = false} : vector<1280x64xbf16>, vector<64x1024xbf16>, vector<1280x1024xf32> -> vector<1280x1024xf32>
    %add3A_202 = arith.constant 0.000000e+00 : f32
    %add3A_203 = vector.broadcast %add3A_202 : f32 to vector<1280x1024xf32>
    %add3A_204 = arith.addf %add3A_203, %dot_general3A_201 : vector<1280x1024xf32>
    %dot_general3A_205 = arith.constant dense<0.000000e+00> : vector<1280x1024xf32>
    %dot_general3A_206 = tpu.matmul %convert_element_type3A_196, %convert_element_type3A_190, %dot_general3A_205 {dimension_numbers = #tpu.dot_dimension_numbers<[1], [0], [0], [1], [0, 0, 1, 1], [], []>, transpose_lhs_hint = false} : vector<1280x64xbf16>, vector<64x1024xbf16>, vector<1280x1024xf32> -> vector<1280x1024xf32>
    %add3A_207 = arith.addf %add3A_204, %dot_general3A_206 : vector<1280x1024xf32>
    %dot_general3A_208 = arith.constant dense<0.000000e+00> : vector<1280x1024xf32>
    %dot_general3A_209 = tpu.matmul %convert_element_type3A_199, %convert_element_type3A_190, %dot_general3A_208 {dimension_numbers = #tpu.dot_dimension_numbers<[1], [0], [0], [1], [0, 0, 1, 1], [], []>, transpose_lhs_hint = false} : vector<1280x64xbf16>, vector<64x1024xbf16>, vector<1280x1024xf32> -> vector<1280x1024xf32>
    %add3A_210 = arith.addf %add3A_207, %dot_general3A_209 : vector<1280x1024xf32>
    %get3A_211 = arith.constant 0 : index
    %get3A_212 = arith.constant 0 : index
    %get3A_213 = vector.load %arg9[%get3A_211, %get3A_212] : memref<64x64xf32, #tpu.memory_space<vmem>>, vector<64x64xf32>
    %convert_element_type3A_214 = arith.truncf %get3A_213 : vector<64x64xf32> to vector<64x64xbf16>
    %convert_element_type3A_215 = arith.extf %convert_element_type3A_214 : vector<64x64xbf16> to vector<64x64xf32>
    %sub3A_216 = arith.subf %get3A_213, %convert_element_type3A_215 : vector<64x64xf32>
    %convert_element_type3A_217 = arith.truncf %sub3A_216 : vector<64x64xf32> to vector<64x64xbf16>
    %convert_element_type3A_218 = arith.extf %convert_element_type3A_217 : vector<64x64xbf16> to vector<64x64xf32>
    %sub3A_219 = arith.subf %sub3A_216, %convert_element_type3A_218 : vector<64x64xf32>
    %convert_element_type3A_220 = arith.truncf %sub3A_219 : vector<64x64xf32> to vector<64x64xbf16>
    %dot_general3A_221 = arith.constant dense<0.000000e+00> : vector<64x1024xf32>
    %dot_general3A_222 = tpu.matmul %convert_element_type3A_214, %convert_element_type3A_190, %dot_general3A_221 {dimension_numbers = #tpu.dot_dimension_numbers<[1], [0], [0], [1], [0, 0, 1, 1], [], []>, transpose_lhs_hint = false} : vector<64x64xbf16>, vector<64x1024xbf16>, vector<64x1024xf32> -> vector<64x1024xf32>
    %add3A_223 = arith.constant 0.000000e+00 : f32
    %add3A_224 = vector.broadcast %add3A_223 : f32 to vector<64x1024xf32>
    %add3A_225 = arith.addf %add3A_224, %dot_general3A_222 : vector<64x1024xf32>
    %dot_general3A_226 = arith.constant dense<0.000000e+00> : vector<64x1024xf32>
    %dot_general3A_227 = tpu.matmul %convert_element_type3A_217, %convert_element_type3A_190, %dot_general3A_226 {dimension_numbers = #tpu.dot_dimension_numbers<[1], [0], [0], [1], [0, 0, 1, 1], [], []>, transpose_lhs_hint = false} : vector<64x64xbf16>, vector<64x1024xbf16>, vector<64x1024xf32> -> vector<64x1024xf32>
    %add3A_228 = arith.addf %add3A_225, %dot_general3A_227 : vector<64x1024xf32>
    %dot_general3A_229 = arith.constant dense<0.000000e+00> : vector<64x1024xf32>
    %dot_general3A_230 = tpu.matmul %convert_element_type3A_220, %convert_element_type3A_190, %dot_general3A_229 {dimension_numbers = #tpu.dot_dimension_numbers<[1], [0], [0], [1], [0, 0, 1, 1], [], []>, transpose_lhs_hint = false} : vector<64x64xbf16>, vector<64x1024xbf16>, vector<64x1024xf32> -> vector<64x1024xf32>
    %add3A_231 = arith.addf %add3A_228, %dot_general3A_230 : vector<64x1024xf32>
    %get3A_232 = arith.constant 0 : index
    %get3A_233 = arith.constant 0 : index
    %get3A_234 = vector.load %arg10[%get3A_232, %get3A_233] : memref<1280x64xf32, #tpu.memory_space<vmem>>, vector<1280x64xf32>
    %convert_element_type3A_235 = arith.truncf %get3A_234 : vector<1280x64xf32> to vector<1280x64xbf16>
    %convert_element_type3A_236 = arith.extf %convert_element_type3A_235 : vector<1280x64xbf16> to vector<1280x64xf32>
    %sub3A_237 = arith.subf %get3A_234, %convert_element_type3A_236 : vector<1280x64xf32>
    %convert_element_type3A_238 = arith.truncf %sub3A_237 : vector<1280x64xf32> to vector<1280x64xbf16>
    %dot_general3A_239 = arith.constant dense<0.000000e+00> : vector<1280x1024xf32>
    %dot_general3A_240 = tpu.matmul %convert_element_type3A_235, %convert_element_type3A_190, %dot_general3A_239 {dimension_numbers = #tpu.dot_dimension_numbers<[1], [0], [0], [1], [0, 0, 1, 1], [], []>, transpose_lhs_hint = false} : vector<1280x64xbf16>, vector<64x1024xbf16>, vector<1280x1024xf32> -> vector<1280x1024xf32>
    %add3A_241 = arith.constant 0.000000e+00 : f32
    %add3A_242 = vector.broadcast %add3A_241 : f32 to vector<1280x1024xf32>
    %add3A_243 = arith.addf %add3A_242, %dot_general3A_240 : vector<1280x1024xf32>
    %dot_general3A_244 = arith.constant dense<0.000000e+00> : vector<1280x1024xf32>
    %dot_general3A_245 = tpu.matmul %convert_element_type3A_238, %convert_element_type3A_190, %dot_general3A_244 {dimension_numbers = #tpu.dot_dimension_numbers<[1], [0], [0], [1], [0, 0, 1, 1], [], []>, transpose_lhs_hint = false} : vector<1280x64xbf16>, vector<64x1024xbf16>, vector<1280x1024xf32> -> vector<1280x1024xf32>
    %add3A_246 = arith.addf %add3A_243, %dot_general3A_245 : vector<1280x1024xf32>
    %transpose3A = tpu.transpose %mul3A_184, [1, 0] : vector<1024x20xf32> -> vector<20x1024xf32>
    %slice3A_247 = vector.extract_strided_slice %transpose3A {offsets = [0, 0], sizes = [1, 1024], strides = [1, 1]} : vector<20x1024xf32> to vector<1x1024xf32>
    %slice3A_248 = vector.extract_strided_slice %add3A_210 {offsets = [0, 0], sizes = [64, 1024], strides = [1, 1]} : vector<1280x1024xf32> to vector<64x1024xf32>
    %mul3A_249 = vector.broadcast %slice3A_247 : vector<1x1024xf32> to vector<64x1024xf32>
    %mul3A_250 = arith.mulf %mul3A_249, %slice3A_248 : vector<64x1024xf32>
    %slice3A_251 = vector.extract_strided_slice %transpose3A {offsets = [1, 0], sizes = [1, 1024], strides = [1, 1]} : vector<20x1024xf32> to vector<1x1024xf32>
    %slice3A_252 = vector.extract_strided_slice %add3A_210 {offsets = [64, 0], sizes = [64, 1024], strides = [1, 1]} : vector<1280x1024xf32> to vector<64x1024xf32>
    %mul3A_253 = vector.broadcast %slice3A_251 : vector<1x1024xf32> to vector<64x1024xf32>
    %mul3A_254 = arith.mulf %mul3A_253, %slice3A_252 : vector<64x1024xf32>
    %add3A_255 = arith.addf %mul3A_250, %mul3A_254 : vector<64x1024xf32>
    %slice3A_256 = vector.extract_strided_slice %transpose3A {offsets = [2, 0], sizes = [1, 1024], strides = [1, 1]} : vector<20x1024xf32> to vector<1x1024xf32>
    %slice3A_257 = vector.extract_strided_slice %add3A_210 {offsets = [128, 0], sizes = [64, 1024], strides = [1, 1]} : vector<1280x1024xf32> to vector<64x1024xf32>
    %mul3A_258 = vector.broadcast %slice3A_256 : vector<1x1024xf32> to vector<64x1024xf32>
    %mul3A_259 = arith.mulf %mul3A_258, %slice3A_257 : vector<64x1024xf32>
    %add3A_260 = arith.addf %add3A_255, %mul3A_259 : vector<64x1024xf32>
    %slice3A_261 = vector.extract_strided_slice %transpose3A {offsets = [3, 0], sizes = [1, 1024], strides = [1, 1]} : vector<20x1024xf32> to vector<1x1024xf32>
    %slice3A_262 = vector.extract_strided_slice %add3A_210 {offsets = [192, 0], sizes = [64, 1024], strides = [1, 1]} : vector<1280x1024xf32> to vector<64x1024xf32>
    %mul3A_263 = vector.broadcast %slice3A_261 : vector<1x1024xf32> to vector<64x1024xf32>
    %mul3A_264 = arith.mulf %mul3A_263, %slice3A_262 : vector<64x1024xf32>
    %add3A_265 = arith.addf %add3A_260, %mul3A_264 : vector<64x1024xf32>
    %slice3A_266 = vector.extract_strided_slice %transpose3A {offsets = [4, 0], sizes = [1, 1024], strides = [1, 1]} : vector<20x1024xf32> to vector<1x1024xf32>
    %slice3A_267 = vector.extract_strided_slice %add3A_210 {offsets = [256, 0], sizes = [64, 1024], strides = [1, 1]} : vector<1280x1024xf32> to vector<64x1024xf32>
    %mul3A_268 = vector.broadcast %slice3A_266 : vector<1x1024xf32> to vector<64x1024xf32>
    %mul3A_269 = arith.mulf %mul3A_268, %slice3A_267 : vector<64x1024xf32>
    %add3A_270 = arith.addf %add3A_265, %mul3A_269 : vector<64x1024xf32>
    %slice3A_271 = vector.extract_strided_slice %transpose3A {offsets = [5, 0], sizes = [1, 1024], strides = [1, 1]} : vector<20x1024xf32> to vector<1x1024xf32>
    %slice3A_272 = vector.extract_strided_slice %add3A_210 {offsets = [320, 0], sizes = [64, 1024], strides = [1, 1]} : vector<1280x1024xf32> to vector<64x1024xf32>
    %mul3A_273 = vector.broadcast %slice3A_271 : vector<1x1024xf32> to vector<64x1024xf32>
    %mul3A_274 = arith.mulf %mul3A_273, %slice3A_272 : vector<64x1024xf32>
    %add3A_275 = arith.addf %add3A_270, %mul3A_274 : vector<64x1024xf32>
    %slice3A_276 = vector.extract_strided_slice %transpose3A {offsets = [6, 0], sizes = [1, 1024], strides = [1, 1]} : vector<20x1024xf32> to vector<1x1024xf32>
    %slice3A_277 = vector.extract_strided_slice %add3A_210 {offsets = [384, 0], sizes = [64, 1024], strides = [1, 1]} : vector<1280x1024xf32> to vector<64x1024xf32>
    %mul3A_278 = vector.broadcast %slice3A_276 : vector<1x1024xf32> to vector<64x1024xf32>
    %mul3A_279 = arith.mulf %mul3A_278, %slice3A_277 : vector<64x1024xf32>
    %add3A_280 = arith.addf %add3A_275, %mul3A_279 : vector<64x1024xf32>
    %slice3A_281 = vector.extract_strided_slice %transpose3A {offsets = [7, 0], sizes = [1, 1024], strides = [1, 1]} : vector<20x1024xf32> to vector<1x1024xf32>
    %slice3A_282 = vector.extract_strided_slice %add3A_210 {offsets = [448, 0], sizes = [64, 1024], strides = [1, 1]} : vector<1280x1024xf32> to vector<64x1024xf32>
    %mul3A_283 = vector.broadcast %slice3A_281 : vector<1x1024xf32> to vector<64x1024xf32>
    %mul3A_284 = arith.mulf %mul3A_283, %slice3A_282 : vector<64x1024xf32>
    %add3A_285 = arith.addf %add3A_280, %mul3A_284 : vector<64x1024xf32>
    %slice3A_286 = vector.extract_strided_slice %transpose3A {offsets = [8, 0], sizes = [1, 1024], strides = [1, 1]} : vector<20x1024xf32> to vector<1x1024xf32>
    %slice3A_287 = vector.extract_strided_slice %add3A_210 {offsets = [512, 0], sizes = [64, 1024], strides = [1, 1]} : vector<1280x1024xf32> to vector<64x1024xf32>
    %mul3A_288 = vector.broadcast %slice3A_286 : vector<1x1024xf32> to vector<64x1024xf32>
    %mul3A_289 = arith.mulf %mul3A_288, %slice3A_287 : vector<64x1024xf32>
    %add3A_290 = arith.addf %add3A_285, %mul3A_289 : vector<64x1024xf32>
    %slice3A_291 = vector.extract_strided_slice %transpose3A {offsets = [9, 0], sizes = [1, 1024], strides = [1, 1]} : vector<20x1024xf32> to vector<1x1024xf32>
    %slice3A_292 = vector.extract_strided_slice %add3A_210 {offsets = [576, 0], sizes = [64, 1024], strides = [1, 1]} : vector<1280x1024xf32> to vector<64x1024xf32>
    %mul3A_293 = vector.broadcast %slice3A_291 : vector<1x1024xf32> to vector<64x1024xf32>
    %mul3A_294 = arith.mulf %mul3A_293, %slice3A_292 : vector<64x1024xf32>
    %add3A_295 = arith.addf %add3A_290, %mul3A_294 : vector<64x1024xf32>
    %slice3A_296 = vector.extract_strided_slice %transpose3A {offsets = [10, 0], sizes = [1, 1024], strides = [1, 1]} : vector<20x1024xf32> to vector<1x1024xf32>
    %slice3A_297 = vector.extract_strided_slice %add3A_210 {offsets = [640, 0], sizes = [64, 1024], strides = [1, 1]} : vector<1280x1024xf32> to vector<64x1024xf32>
    %mul3A_298 = vector.broadcast %slice3A_296 : vector<1x1024xf32> to vector<64x1024xf32>
    %mul3A_299 = arith.mulf %mul3A_298, %slice3A_297 : vector<64x1024xf32>
    %add3A_300 = arith.addf %add3A_295, %mul3A_299 : vector<64x1024xf32>
    %slice3A_301 = vector.extract_strided_slice %transpose3A {offsets = [11, 0], sizes = [1, 1024], strides = [1, 1]} : vector<20x1024xf32> to vector<1x1024xf32>
    %slice3A_302 = vector.extract_strided_slice %add3A_210 {offsets = [704, 0], sizes = [64, 1024], strides = [1, 1]} : vector<1280x1024xf32> to vector<64x1024xf32>
    %mul3A_303 = vector.broadcast %slice3A_301 : vector<1x1024xf32> to vector<64x1024xf32>
    %mul3A_304 = arith.mulf %mul3A_303, %slice3A_302 : vector<64x1024xf32>
    %add3A_305 = arith.addf %add3A_300, %mul3A_304 : vector<64x1024xf32>
    %slice3A_306 = vector.extract_strided_slice %transpose3A {offsets = [12, 0], sizes = [1, 1024], strides = [1, 1]} : vector<20x1024xf32> to vector<1x1024xf32>
    %slice3A_307 = vector.extract_strided_slice %add3A_210 {offsets = [768, 0], sizes = [64, 1024], strides = [1, 1]} : vector<1280x1024xf32> to vector<64x1024xf32>
    %mul3A_308 = vector.broadcast %slice3A_306 : vector<1x1024xf32> to vector<64x1024xf32>
    %mul3A_309 = arith.mulf %mul3A_308, %slice3A_307 : vector<64x1024xf32>
    %add3A_310 = arith.addf %add3A_305, %mul3A_309 : vector<64x1024xf32>
    %slice3A_311 = vector.extract_strided_slice %transpose3A {offsets = [13, 0], sizes = [1, 1024], strides = [1, 1]} : vector<20x1024xf32> to vector<1x1024xf32>
    %slice3A_312 = vector.extract_strided_slice %add3A_210 {offsets = [832, 0], sizes = [64, 1024], strides = [1, 1]} : vector<1280x1024xf32> to vector<64x1024xf32>
    %mul3A_313 = vector.broadcast %slice3A_311 : vector<1x1024xf32> to vector<64x1024xf32>
    %mul3A_314 = arith.mulf %mul3A_313, %slice3A_312 : vector<64x1024xf32>
    %add3A_315 = arith.addf %add3A_310, %mul3A_314 : vector<64x1024xf32>
    %slice3A_316 = vector.extract_strided_slice %transpose3A {offsets = [14, 0], sizes = [1, 1024], strides = [1, 1]} : vector<20x1024xf32> to vector<1x1024xf32>
    %slice3A_317 = vector.extract_strided_slice %add3A_210 {offsets = [896, 0], sizes = [64, 1024], strides = [1, 1]} : vector<1280x1024xf32> to vector<64x1024xf32>
    %mul3A_318 = vector.broadcast %slice3A_316 : vector<1x1024xf32> to vector<64x1024xf32>
    %mul3A_319 = arith.mulf %mul3A_318, %slice3A_317 : vector<64x1024xf32>
    %add3A_320 = arith.addf %add3A_315, %mul3A_319 : vector<64x1024xf32>
    %slice3A_321 = vector.extract_strided_slice %transpose3A {offsets = [15, 0], sizes = [1, 1024], strides = [1, 1]} : vector<20x1024xf32> to vector<1x1024xf32>
    %slice3A_322 = vector.extract_strided_slice %add3A_210 {offsets = [960, 0], sizes = [64, 1024], strides = [1, 1]} : vector<1280x1024xf32> to vector<64x1024xf32>
    %mul3A_323 = vector.broadcast %slice3A_321 : vector<1x1024xf32> to vector<64x1024xf32>
    %mul3A_324 = arith.mulf %mul3A_323, %slice3A_322 : vector<64x1024xf32>
    %add3A_325 = arith.addf %add3A_320, %mul3A_324 : vector<64x1024xf32>
    %slice3A_326 = vector.extract_strided_slice %transpose3A {offsets = [16, 0], sizes = [1, 1024], strides = [1, 1]} : vector<20x1024xf32> to vector<1x1024xf32>
    %slice3A_327 = vector.extract_strided_slice %add3A_210 {offsets = [1024, 0], sizes = [64, 1024], strides = [1, 1]} : vector<1280x1024xf32> to vector<64x1024xf32>
    %mul3A_328 = vector.broadcast %slice3A_326 : vector<1x1024xf32> to vector<64x1024xf32>
    %mul3A_329 = arith.mulf %mul3A_328, %slice3A_327 : vector<64x1024xf32>
    %add3A_330 = arith.addf %add3A_325, %mul3A_329 : vector<64x1024xf32>
    %slice3A_331 = vector.extract_strided_slice %transpose3A {offsets = [17, 0], sizes = [1, 1024], strides = [1, 1]} : vector<20x1024xf32> to vector<1x1024xf32>
    %slice3A_332 = vector.extract_strided_slice %add3A_210 {offsets = [1088, 0], sizes = [64, 1024], strides = [1, 1]} : vector<1280x1024xf32> to vector<64x1024xf32>
    %mul3A_333 = vector.broadcast %slice3A_331 : vector<1x1024xf32> to vector<64x1024xf32>
    %mul3A_334 = arith.mulf %mul3A_333, %slice3A_332 : vector<64x1024xf32>
    %add3A_335 = arith.addf %add3A_330, %mul3A_334 : vector<64x1024xf32>
    %slice3A_336 = vector.extract_strided_slice %transpose3A {offsets = [18, 0], sizes = [1, 1024], strides = [1, 1]} : vector<20x1024xf32> to vector<1x1024xf32>
    %slice3A_337 = vector.extract_strided_slice %add3A_210 {offsets = [1152, 0], sizes = [64, 1024], strides = [1, 1]} : vector<1280x1024xf32> to vector<64x1024xf32>
    %mul3A_338 = vector.broadcast %slice3A_336 : vector<1x1024xf32> to vector<64x1024xf32>
    %mul3A_339 = arith.mulf %mul3A_338, %slice3A_337 : vector<64x1024xf32>
    %add3A_340 = arith.addf %add3A_335, %mul3A_339 : vector<64x1024xf32>
    %slice3A_341 = vector.extract_strided_slice %transpose3A {offsets = [19, 0], sizes = [1, 1024], strides = [1, 1]} : vector<20x1024xf32> to vector<1x1024xf32>
    %slice3A_342 = vector.extract_strided_slice %add3A_210 {offsets = [1216, 0], sizes = [64, 1024], strides = [1, 1]} : vector<1280x1024xf32> to vector<64x1024xf32>
    %mul3A_343 = vector.broadcast %slice3A_341 : vector<1x1024xf32> to vector<64x1024xf32>
    %mul3A_344 = arith.mulf %mul3A_343, %slice3A_342 : vector<64x1024xf32>
    %add3A_345 = arith.addf %add3A_340, %mul3A_344 : vector<64x1024xf32>
    %mul3A_346 = arith.mulf %transpose3A, %transpose3A : vector<20x1024xf32>
    %reduce_sum3A = arith.constant dense<0.000000e+00> : vector<1024xf32>
    %reduce_sum3A_347 = vector.multi_reduction <add>, %mul3A_346, %reduce_sum3A [0] : vector<20x1024xf32> to vector<1024xf32>
    %broadcast_in_dim3A_348 = vector.shape_cast %reduce_sum3A_347 : vector<1024xf32> to vector<1x1024xf32>
    %mul3A_349 = arith.constant 2.000000e+00 : f32
    %mul3A_350 = vector.broadcast %mul3A_349 : f32 to vector<64x1024xf32>
    %mul3A_351 = arith.mulf %mul3A_350, %add3A_345 : vector<64x1024xf32>
    %sub3A_352 = vector.broadcast %broadcast_in_dim3A_348 : vector<1x1024xf32> to vector<64x1024xf32>
    %sub3A_353 = arith.subf %sub3A_352, %mul3A_351 : vector<64x1024xf32>
    %add3A_354 = arith.addf %sub3A_353, %add3A_231 : vector<64x1024xf32>
    %max3A_355 = arith.constant 0.000000e+00 : f32
    %max3A_356 = vector.broadcast %max3A_355 : f32 to vector<64x1024xf32>
    %max3A_357 = arith.maximumf %add3A_354, %max3A_356 : vector<64x1024xf32>
    %add3A_358 = arith.constant 9.99999996E-13 : f32
    %add3A_359 = vector.broadcast %add3A_358 : f32 to vector<64x1024xf32>
    %add3A_360 = arith.addf %max3A_357, %add3A_359 : vector<64x1024xf32>
    %sqrt3A = math.sqrt %add3A_360 : vector<64x1024xf32>
    %mul3A_361 = arith.constant -2.000000e-02 : f32
    %mul3A_362 = vector.broadcast %mul3A_361 : f32 to vector<64x1024xf32>
    %mul3A_363 = arith.mulf %mul3A_362, %sqrt3A : vector<64x1024xf32>
    %exp3A = math.exp %mul3A_363 : vector<64x1024xf32>
    %broadcast_in_dim3A_364 = arith.constant true
    %broadcast_in_dim3A_365 = vector.broadcast %broadcast_in_dim3A_364 : i1 to vector<64x1024xi1>
    %broadcast_in_dim3A_366 = arith.constant false
    %broadcast_in_dim3A_367 = vector.broadcast %broadcast_in_dim3A_366 : i1 to vector<64x1024xi1>
    %jit3A_368 = arith.constant -1.000000e+30 : f32
    %broadcast_in_dim3A_369 = vector.broadcast %jit3A_368 : f32 to vector<64x1024xf32>
    %select_n3A_370 = arith.select %broadcast_in_dim3A_365, %exp3A, %broadcast_in_dim3A_369 : vector<64x1024xi1>, vector<64x1024xf32>
    %reduce_max3A = arith.constant dense<0xFF800000> : vector<1024xf32>
    %reduce_max3A_371 = vector.multi_reduction <maximumf>, %select_n3A_370, %reduce_max3A [0] : vector<64x1024xf32> to vector<1024xf32>
    %broadcast_in_dim3A_372 = vector.shape_cast %reduce_max3A_371 : vector<1024xf32> to vector<1x1024xf32>
    %eq3A_373 = vector.broadcast %broadcast_in_dim3A_372 : vector<1x1024xf32> to vector<64x1024xf32>
    %eq3A_374 = arith.cmpf oeq, %select_n3A_370, %eq3A_373 : vector<64x1024xf32>
    %jit3A_375 = arith.constant 64 : i32
    %broadcast_in_dim3A_376 = vector.broadcast %jit3A_375 : i32 to vector<64x1024xi32>
    %select_n3A_377 = arith.select %eq3A_374, %iota3A, %broadcast_in_dim3A_376 : vector<64x1024xi1>, vector<64x1024xi32>
    %reduce_min3A = arith.constant dense<2147483647> : vector<1024xi32>
    %reduce_min3A_378 = vector.multi_reduction <minsi>, %select_n3A_377, %reduce_min3A [0] : vector<64x1024xi32> to vector<1024xi32>
    %broadcast_in_dim3A_379 = vector.shape_cast %reduce_min3A_378 : vector<1024xi32> to vector<1x1024xi32>
    %eq3A_380 = vector.broadcast %broadcast_in_dim3A_379 : vector<1x1024xi32> to vector<64x1024xi32>
    %eq3A_381 = arith.cmpi eq, %iota3A, %eq3A_380 : vector<64x1024xi32>
    %or3A_382 = arith.ori %broadcast_in_dim3A_367, %eq3A_381 : vector<64x1024xi1>
    %not3A_383 = arith.constant dense<true> : vector<64x1024xi1>
    %not3A_384 = arith.xori %eq3A_381, %not3A_383 : vector<64x1024xi1>
    %and3A_385 = arith.andi %broadcast_in_dim3A_365, %not3A_384 : vector<64x1024xi1>
    %jit3A_386 = arith.constant -1.000000e+30 : f32
    %broadcast_in_dim3A_387 = vector.broadcast %jit3A_386 : f32 to vector<64x1024xf32>
    %select_n3A_388 = arith.select %and3A_385, %exp3A, %broadcast_in_dim3A_387 : vector<64x1024xi1>, vector<64x1024xf32>
    %reduce_max3A_389 = arith.constant dense<0xFF800000> : vector<1024xf32>
    %reduce_max3A_390 = vector.multi_reduction <maximumf>, %select_n3A_388, %reduce_max3A_389 [0] : vector<64x1024xf32> to vector<1024xf32>
    %broadcast_in_dim3A_391 = vector.shape_cast %reduce_max3A_390 : vector<1024xf32> to vector<1x1024xf32>
    %eq3A_392 = vector.broadcast %broadcast_in_dim3A_391 : vector<1x1024xf32> to vector<64x1024xf32>
    %eq3A_393 = arith.cmpf oeq, %select_n3A_388, %eq3A_392 : vector<64x1024xf32>
    %jit3A_394 = arith.constant 64 : i32
    %broadcast_in_dim3A_395 = vector.broadcast %jit3A_394 : i32 to vector<64x1024xi32>
    %select_n3A_396 = arith.select %eq3A_393, %iota3A, %broadcast_in_dim3A_395 : vector<64x1024xi1>, vector<64x1024xi32>
    %reduce_min3A_397 = arith.constant dense<2147483647> : vector<1024xi32>
    %reduce_min3A_398 = vector.multi_reduction <minsi>, %select_n3A_396, %reduce_min3A_397 [0] : vector<64x1024xi32> to vector<1024xi32>
    %broadcast_in_dim3A_399 = vector.shape_cast %reduce_min3A_398 : vector<1024xi32> to vector<1x1024xi32>
    %eq3A_400 = vector.broadcast %broadcast_in_dim3A_399 : vector<1x1024xi32> to vector<64x1024xi32>
    %eq3A_401 = arith.cmpi eq, %iota3A, %eq3A_400 : vector<64x1024xi32>
    %or3A_402 = arith.ori %or3A_382, %eq3A_401 : vector<64x1024xi1>
    %not3A_403 = arith.constant dense<true> : vector<64x1024xi1>
    %not3A_404 = arith.xori %eq3A_401, %not3A_403 : vector<64x1024xi1>
    %and3A_405 = arith.andi %and3A_385, %not3A_404 : vector<64x1024xi1>
    %jit3A_406 = arith.constant -1.000000e+30 : f32
    %broadcast_in_dim3A_407 = vector.broadcast %jit3A_406 : f32 to vector<64x1024xf32>
    %select_n3A_408 = arith.select %and3A_405, %exp3A, %broadcast_in_dim3A_407 : vector<64x1024xi1>, vector<64x1024xf32>
    %reduce_max3A_409 = arith.constant dense<0xFF800000> : vector<1024xf32>
    %reduce_max3A_410 = vector.multi_reduction <maximumf>, %select_n3A_408, %reduce_max3A_409 [0] : vector<64x1024xf32> to vector<1024xf32>
    %broadcast_in_dim3A_411 = vector.shape_cast %reduce_max3A_410 : vector<1024xf32> to vector<1x1024xf32>
    %eq3A_412 = vector.broadcast %broadcast_in_dim3A_411 : vector<1x1024xf32> to vector<64x1024xf32>
    %eq3A_413 = arith.cmpf oeq, %select_n3A_408, %eq3A_412 : vector<64x1024xf32>
    %jit3A_414 = arith.constant 64 : i32
    %broadcast_in_dim3A_415 = vector.broadcast %jit3A_414 : i32 to vector<64x1024xi32>
    %select_n3A_416 = arith.select %eq3A_413, %iota3A, %broadcast_in_dim3A_415 : vector<64x1024xi1>, vector<64x1024xi32>
    %reduce_min3A_417 = arith.constant dense<2147483647> : vector<1024xi32>
    %reduce_min3A_418 = vector.multi_reduction <minsi>, %select_n3A_416, %reduce_min3A_417 [0] : vector<64x1024xi32> to vector<1024xi32>
    %broadcast_in_dim3A_419 = vector.shape_cast %reduce_min3A_418 : vector<1024xi32> to vector<1x1024xi32>
    %eq3A_420 = vector.broadcast %broadcast_in_dim3A_419 : vector<1x1024xi32> to vector<64x1024xi32>
    %eq3A_421 = arith.cmpi eq, %iota3A, %eq3A_420 : vector<64x1024xi32>
    %or3A_422 = arith.ori %or3A_402, %eq3A_421 : vector<64x1024xi1>
    %not3A_423 = arith.constant dense<true> : vector<64x1024xi1>
    %not3A_424 = arith.xori %eq3A_421, %not3A_423 : vector<64x1024xi1>
    %and3A_425 = arith.andi %and3A_405, %not3A_424 : vector<64x1024xi1>
    %jit3A_426 = arith.constant -1.000000e+30 : f32
    %broadcast_in_dim3A_427 = vector.broadcast %jit3A_426 : f32 to vector<64x1024xf32>
    %select_n3A_428 = arith.select %and3A_425, %exp3A, %broadcast_in_dim3A_427 : vector<64x1024xi1>, vector<64x1024xf32>
    %reduce_max3A_429 = arith.constant dense<0xFF800000> : vector<1024xf32>
    %reduce_max3A_430 = vector.multi_reduction <maximumf>, %select_n3A_428, %reduce_max3A_429 [0] : vector<64x1024xf32> to vector<1024xf32>
    %broadcast_in_dim3A_431 = vector.shape_cast %reduce_max3A_430 : vector<1024xf32> to vector<1x1024xf32>
    %eq3A_432 = vector.broadcast %broadcast_in_dim3A_431 : vector<1x1024xf32> to vector<64x1024xf32>
    %eq3A_433 = arith.cmpf oeq, %select_n3A_428, %eq3A_432 : vector<64x1024xf32>
    %jit3A_434 = arith.constant 64 : i32
    %broadcast_in_dim3A_435 = vector.broadcast %jit3A_434 : i32 to vector<64x1024xi32>
    %select_n3A_436 = arith.select %eq3A_433, %iota3A, %broadcast_in_dim3A_435 : vector<64x1024xi1>, vector<64x1024xi32>
    %reduce_min3A_437 = arith.constant dense<2147483647> : vector<1024xi32>
    %reduce_min3A_438 = vector.multi_reduction <minsi>, %select_n3A_436, %reduce_min3A_437 [0] : vector<64x1024xi32> to vector<1024xi32>
    %broadcast_in_dim3A_439 = vector.shape_cast %reduce_min3A_438 : vector<1024xi32> to vector<1x1024xi32>
    %eq3A_440 = vector.broadcast %broadcast_in_dim3A_439 : vector<1x1024xi32> to vector<64x1024xi32>
    %eq3A_441 = arith.cmpi eq, %iota3A, %eq3A_440 : vector<64x1024xi32>
    %or3A_442 = arith.ori %or3A_422, %eq3A_441 : vector<64x1024xi1>
    %not3A_443 = arith.constant dense<true> : vector<64x1024xi1>
    %not3A_444 = arith.xori %eq3A_441, %not3A_443 : vector<64x1024xi1>
    %and3A_445 = arith.andi %and3A_425, %not3A_444 : vector<64x1024xi1>
    %jit3A_446 = arith.constant -1.000000e+30 : f32
    %broadcast_in_dim3A_447 = vector.broadcast %jit3A_446 : f32 to vector<64x1024xf32>
    %select_n3A_448 = arith.select %and3A_445, %exp3A, %broadcast_in_dim3A_447 : vector<64x1024xi1>, vector<64x1024xf32>
    %reduce_max3A_449 = arith.constant dense<0xFF800000> : vector<1024xf32>
    %reduce_max3A_450 = vector.multi_reduction <maximumf>, %select_n3A_448, %reduce_max3A_449 [0] : vector<64x1024xf32> to vector<1024xf32>
    %broadcast_in_dim3A_451 = vector.shape_cast %reduce_max3A_450 : vector<1024xf32> to vector<1x1024xf32>
    %eq3A_452 = vector.broadcast %broadcast_in_dim3A_451 : vector<1x1024xf32> to vector<64x1024xf32>
    %eq3A_453 = arith.cmpf oeq, %select_n3A_448, %eq3A_452 : vector<64x1024xf32>
    %jit3A_454 = arith.constant 64 : i32
    %broadcast_in_dim3A_455 = vector.broadcast %jit3A_454 : i32 to vector<64x1024xi32>
    %select_n3A_456 = arith.select %eq3A_453, %iota3A, %broadcast_in_dim3A_455 : vector<64x1024xi1>, vector<64x1024xi32>
    %reduce_min3A_457 = arith.constant dense<2147483647> : vector<1024xi32>
    %reduce_min3A_458 = vector.multi_reduction <minsi>, %select_n3A_456, %reduce_min3A_457 [0] : vector<64x1024xi32> to vector<1024xi32>
    %broadcast_in_dim3A_459 = vector.shape_cast %reduce_min3A_458 : vector<1024xi32> to vector<1x1024xi32>
    %eq3A_460 = vector.broadcast %broadcast_in_dim3A_459 : vector<1x1024xi32> to vector<64x1024xi32>
    %eq3A_461 = arith.cmpi eq, %iota3A, %eq3A_460 : vector<64x1024xi32>
    %or3A_462 = arith.ori %or3A_442, %eq3A_461 : vector<64x1024xi1>
    %not3A_463 = arith.constant dense<true> : vector<64x1024xi1>
    %not3A_464 = arith.xori %eq3A_461, %not3A_463 : vector<64x1024xi1>
    %and3A_465 = arith.andi %and3A_445, %not3A_464 : vector<64x1024xi1>
    %jit3A_466 = arith.constant -1.000000e+30 : f32
    %broadcast_in_dim3A_467 = vector.broadcast %jit3A_466 : f32 to vector<64x1024xf32>
    %select_n3A_468 = arith.select %and3A_465, %exp3A, %broadcast_in_dim3A_467 : vector<64x1024xi1>, vector<64x1024xf32>
    %reduce_max3A_469 = arith.constant dense<0xFF800000> : vector<1024xf32>
    %reduce_max3A_470 = vector.multi_reduction <maximumf>, %select_n3A_468, %reduce_max3A_469 [0] : vector<64x1024xf32> to vector<1024xf32>
    %broadcast_in_dim3A_471 = vector.shape_cast %reduce_max3A_470 : vector<1024xf32> to vector<1x1024xf32>
    %eq3A_472 = vector.broadcast %broadcast_in_dim3A_471 : vector<1x1024xf32> to vector<64x1024xf32>
    %eq3A_473 = arith.cmpf oeq, %select_n3A_468, %eq3A_472 : vector<64x1024xf32>
    %jit3A_474 = arith.constant 64 : i32
    %broadcast_in_dim3A_475 = vector.broadcast %jit3A_474 : i32 to vector<64x1024xi32>
    %select_n3A_476 = arith.select %eq3A_473, %iota3A, %broadcast_in_dim3A_475 : vector<64x1024xi1>, vector<64x1024xi32>
    %reduce_min3A_477 = arith.constant dense<2147483647> : vector<1024xi32>
    %reduce_min3A_478 = vector.multi_reduction <minsi>, %select_n3A_476, %reduce_min3A_477 [0] : vector<64x1024xi32> to vector<1024xi32>
    %broadcast_in_dim3A_479 = vector.shape_cast %reduce_min3A_478 : vector<1024xi32> to vector<1x1024xi32>
    %eq3A_480 = vector.broadcast %broadcast_in_dim3A_479 : vector<1x1024xi32> to vector<64x1024xi32>
    %eq3A_481 = arith.cmpi eq, %iota3A, %eq3A_480 : vector<64x1024xi32>
    %or3A_482 = arith.ori %or3A_462, %eq3A_481 : vector<64x1024xi1>
    %not3A_483 = arith.constant dense<true> : vector<64x1024xi1>
    %not3A_484 = arith.xori %eq3A_481, %not3A_483 : vector<64x1024xi1>
    %and3A_485 = arith.andi %and3A_465, %not3A_484 : vector<64x1024xi1>
    %jit3A_486 = arith.constant -1.000000e+30 : f32
    %broadcast_in_dim3A_487 = vector.broadcast %jit3A_486 : f32 to vector<64x1024xf32>
    %select_n3A_488 = arith.select %and3A_485, %exp3A, %broadcast_in_dim3A_487 : vector<64x1024xi1>, vector<64x1024xf32>
    %reduce_max3A_489 = arith.constant dense<0xFF800000> : vector<1024xf32>
    %reduce_max3A_490 = vector.multi_reduction <maximumf>, %select_n3A_488, %reduce_max3A_489 [0] : vector<64x1024xf32> to vector<1024xf32>
    %broadcast_in_dim3A_491 = vector.shape_cast %reduce_max3A_490 : vector<1024xf32> to vector<1x1024xf32>
    %eq3A_492 = vector.broadcast %broadcast_in_dim3A_491 : vector<1x1024xf32> to vector<64x1024xf32>
    %eq3A_493 = arith.cmpf oeq, %select_n3A_488, %eq3A_492 : vector<64x1024xf32>
    %jit3A_494 = arith.constant 64 : i32
    %broadcast_in_dim3A_495 = vector.broadcast %jit3A_494 : i32 to vector<64x1024xi32>
    %select_n3A_496 = arith.select %eq3A_493, %iota3A, %broadcast_in_dim3A_495 : vector<64x1024xi1>, vector<64x1024xi32>
    %reduce_min3A_497 = arith.constant dense<2147483647> : vector<1024xi32>
    %reduce_min3A_498 = vector.multi_reduction <minsi>, %select_n3A_496, %reduce_min3A_497 [0] : vector<64x1024xi32> to vector<1024xi32>
    %broadcast_in_dim3A_499 = vector.shape_cast %reduce_min3A_498 : vector<1024xi32> to vector<1x1024xi32>
    %eq3A_500 = vector.broadcast %broadcast_in_dim3A_499 : vector<1x1024xi32> to vector<64x1024xi32>
    %eq3A_501 = arith.cmpi eq, %iota3A, %eq3A_500 : vector<64x1024xi32>
    %or3A_502 = arith.ori %or3A_482, %eq3A_501 : vector<64x1024xi1>
    %not3A_503 = arith.constant dense<true> : vector<64x1024xi1>
    %not3A_504 = arith.xori %eq3A_501, %not3A_503 : vector<64x1024xi1>
    %and3A_505 = arith.andi %and3A_485, %not3A_504 : vector<64x1024xi1>
    %jit3A_506 = arith.constant -1.000000e+30 : f32
    %broadcast_in_dim3A_507 = vector.broadcast %jit3A_506 : f32 to vector<64x1024xf32>
    %select_n3A_508 = arith.select %and3A_505, %exp3A, %broadcast_in_dim3A_507 : vector<64x1024xi1>, vector<64x1024xf32>
    %reduce_max3A_509 = arith.constant dense<0xFF800000> : vector<1024xf32>
    %reduce_max3A_510 = vector.multi_reduction <maximumf>, %select_n3A_508, %reduce_max3A_509 [0] : vector<64x1024xf32> to vector<1024xf32>
    %broadcast_in_dim3A_511 = vector.shape_cast %reduce_max3A_510 : vector<1024xf32> to vector<1x1024xf32>
    %eq3A_512 = vector.broadcast %broadcast_in_dim3A_511 : vector<1x1024xf32> to vector<64x1024xf32>
    %eq3A_513 = arith.cmpf oeq, %select_n3A_508, %eq3A_512 : vector<64x1024xf32>
    %jit3A_514 = arith.constant 64 : i32
    %broadcast_in_dim3A_515 = vector.broadcast %jit3A_514 : i32 to vector<64x1024xi32>
    %select_n3A_516 = arith.select %eq3A_513, %iota3A, %broadcast_in_dim3A_515 : vector<64x1024xi1>, vector<64x1024xi32>
    %reduce_min3A_517 = arith.constant dense<2147483647> : vector<1024xi32>
    %reduce_min3A_518 = vector.multi_reduction <minsi>, %select_n3A_516, %reduce_min3A_517 [0] : vector<64x1024xi32> to vector<1024xi32>
    %broadcast_in_dim3A_519 = vector.shape_cast %reduce_min3A_518 : vector<1024xi32> to vector<1x1024xi32>
    %eq3A_520 = vector.broadcast %broadcast_in_dim3A_519 : vector<1x1024xi32> to vector<64x1024xi32>
    %eq3A_521 = arith.cmpi eq, %iota3A, %eq3A_520 : vector<64x1024xi32>
    %or3A_522 = arith.ori %or3A_502, %eq3A_521 : vector<64x1024xi1>
    %not3A_523 = arith.constant dense<true> : vector<64x1024xi1>
    %not3A_524 = arith.xori %eq3A_521, %not3A_523 : vector<64x1024xi1>
    %and3A_525 = arith.andi %and3A_505, %not3A_524 : vector<64x1024xi1>
    %jit3A_526 = arith.constant -1.000000e+30 : f32
    %broadcast_in_dim3A_527 = vector.broadcast %jit3A_526 : f32 to vector<64x1024xf32>
    %select_n3A_528 = arith.select %and3A_525, %exp3A, %broadcast_in_dim3A_527 : vector<64x1024xi1>, vector<64x1024xf32>
    %reduce_max3A_529 = arith.constant dense<0xFF800000> : vector<1024xf32>
    %reduce_max3A_530 = vector.multi_reduction <maximumf>, %select_n3A_528, %reduce_max3A_529 [0] : vector<64x1024xf32> to vector<1024xf32>
    %broadcast_in_dim3A_531 = vector.shape_cast %reduce_max3A_530 : vector<1024xf32> to vector<1x1024xf32>
    %eq3A_532 = vector.broadcast %broadcast_in_dim3A_531 : vector<1x1024xf32> to vector<64x1024xf32>
    %eq3A_533 = arith.cmpf oeq, %select_n3A_528, %eq3A_532 : vector<64x1024xf32>
    %jit3A_534 = arith.constant 64 : i32
    %broadcast_in_dim3A_535 = vector.broadcast %jit3A_534 : i32 to vector<64x1024xi32>
    %select_n3A_536 = arith.select %eq3A_533, %iota3A, %broadcast_in_dim3A_535 : vector<64x1024xi1>, vector<64x1024xi32>
    %reduce_min3A_537 = arith.constant dense<2147483647> : vector<1024xi32>
    %reduce_min3A_538 = vector.multi_reduction <minsi>, %select_n3A_536, %reduce_min3A_537 [0] : vector<64x1024xi32> to vector<1024xi32>
    %broadcast_in_dim3A_539 = vector.shape_cast %reduce_min3A_538 : vector<1024xi32> to vector<1x1024xi32>
    %eq3A_540 = vector.broadcast %broadcast_in_dim3A_539 : vector<1x1024xi32> to vector<64x1024xi32>
    %eq3A_541 = arith.cmpi eq, %iota3A, %eq3A_540 : vector<64x1024xi32>
    %or3A_542 = arith.ori %or3A_522, %eq3A_541 : vector<64x1024xi1>
    %not3A_543 = arith.constant dense<true> : vector<64x1024xi1>
    %not3A_544 = arith.xori %eq3A_541, %not3A_543 : vector<64x1024xi1>
    %and3A_545 = arith.andi %and3A_525, %not3A_544 : vector<64x1024xi1>
    %jit3A_546 = arith.constant -1.000000e+30 : f32
    %broadcast_in_dim3A_547 = vector.broadcast %jit3A_546 : f32 to vector<64x1024xf32>
    %select_n3A_548 = arith.select %and3A_545, %exp3A, %broadcast_in_dim3A_547 : vector<64x1024xi1>, vector<64x1024xf32>
    %reduce_max3A_549 = arith.constant dense<0xFF800000> : vector<1024xf32>
    %reduce_max3A_550 = vector.multi_reduction <maximumf>, %select_n3A_548, %reduce_max3A_549 [0] : vector<64x1024xf32> to vector<1024xf32>
    %broadcast_in_dim3A_551 = vector.shape_cast %reduce_max3A_550 : vector<1024xf32> to vector<1x1024xf32>
    %eq3A_552 = vector.broadcast %broadcast_in_dim3A_551 : vector<1x1024xf32> to vector<64x1024xf32>
    %eq3A_553 = arith.cmpf oeq, %select_n3A_548, %eq3A_552 : vector<64x1024xf32>
    %jit3A_554 = arith.constant 64 : i32
    %broadcast_in_dim3A_555 = vector.broadcast %jit3A_554 : i32 to vector<64x1024xi32>
    %select_n3A_556 = arith.select %eq3A_553, %iota3A, %broadcast_in_dim3A_555 : vector<64x1024xi1>, vector<64x1024xi32>
    %reduce_min3A_557 = arith.constant dense<2147483647> : vector<1024xi32>
    %reduce_min3A_558 = vector.multi_reduction <minsi>, %select_n3A_556, %reduce_min3A_557 [0] : vector<64x1024xi32> to vector<1024xi32>
    %broadcast_in_dim3A_559 = vector.shape_cast %reduce_min3A_558 : vector<1024xi32> to vector<1x1024xi32>
    %eq3A_560 = vector.broadcast %broadcast_in_dim3A_559 : vector<1x1024xi32> to vector<64x1024xi32>
    %eq3A_561 = arith.cmpi eq, %iota3A, %eq3A_560 : vector<64x1024xi32>
    %or3A_562 = arith.ori %or3A_542, %eq3A_561 : vector<64x1024xi1>
    %exp3A_563 = math.exp %exp3A : vector<64x1024xf32>
    %jit3A_564 = arith.constant 0.000000e+00 : f32
    %broadcast_in_dim3A_565 = vector.broadcast %jit3A_564 : f32 to vector<64x1024xf32>
    %select_n3A_566 = arith.select %or3A_562, %exp3A_563, %broadcast_in_dim3A_565 : vector<64x1024xi1>, vector<64x1024xf32>
    %reduce_sum3A_567 = arith.constant dense<0.000000e+00> : vector<1024xf32>
    %reduce_sum3A_568 = vector.multi_reduction <add>, %select_n3A_566, %reduce_sum3A_567 [0] : vector<64x1024xf32> to vector<1024xf32>
    %broadcast_in_dim3A_569 = vector.shape_cast %reduce_sum3A_568 : vector<1024xf32> to vector<1x1024xf32>
    %add3A_570 = arith.constant 2.71828175 : f32
    %add3A_571 = vector.broadcast %add3A_570 : f32 to vector<1x1024xf32>
    %add3A_572 = arith.addf %broadcast_in_dim3A_569, %add3A_571 : vector<1x1024xf32>
    %iota3A_573 = tpu.iota {dimensions = array<i32: 0>} : vector<1280x64xi32>
    %jit3A_574 = arith.constant 20 : i32
    %div3A = vector.broadcast %jit3A_574 : i32 to vector<1280x64xi32>
    %div3A_575 = arith.divsi %iota3A_573, %div3A : vector<1280x64xi32>
    %sign3A = arith.constant 0 : i32
    %sign3A_576 = vector.broadcast %sign3A : i32 to vector<1280x64xi32>
    %sign3A_577 = arith.cmpi sgt, %iota3A_573, %sign3A_576 : vector<1280x64xi32>
    %sign3A_578 = arith.extui %sign3A_577 : vector<1280x64xi1> to vector<1280x64xi32>
    %sign3A_579 = arith.constant 0 : i32
    %sign3A_580 = vector.broadcast %sign3A_579 : i32 to vector<1280x64xi32>
    %sign3A_581 = arith.cmpi slt, %iota3A_573, %sign3A_580 : vector<1280x64xi32>
    %sign3A_582 = arith.extui %sign3A_581 : vector<1280x64xi1> to vector<1280x64xi32>
    %sign3A_583 = arith.subi %sign3A_578, %sign3A_582 : vector<1280x64xi32>
    %sign3A_584 = arith.constant 0 : i32
    %sign3A_585 = arith.cmpi sgt, %jit3A_574, %sign3A_584 : i32
    %sign3A_586 = arith.extui %sign3A_585 : i1 to i32
    %sign3A_587 = arith.constant 0 : i32
    %sign3A_588 = arith.cmpi slt, %jit3A_574, %sign3A_587 : i32
    %sign3A_589 = arith.extui %sign3A_588 : i1 to i32
    %sign3A_590 = arith.subi %sign3A_586, %sign3A_589 : i32
    %ne3A_591 = vector.broadcast %sign3A_590 : i32 to vector<1280x64xi32>
    %ne3A_592 = arith.cmpi ne, %sign3A_583, %ne3A_591 : vector<1280x64xi32>
    %rem3A_593 = vector.broadcast %jit3A_574 : i32 to vector<1280x64xi32>
    %rem3A_594 = arith.remsi %iota3A_573, %rem3A_593 : vector<1280x64xi32>
    %ne3A_595 = arith.constant 0 : i32
    %ne3A_596 = vector.broadcast %ne3A_595 : i32 to vector<1280x64xi32>
    %ne3A_597 = arith.cmpi ne, %rem3A_594, %ne3A_596 : vector<1280x64xi32>
    %and3A_598 = arith.andi %ne3A_592, %ne3A_597 : vector<1280x64xi1>
    %sub3A_599 = arith.constant 1 : i32
    %sub3A_600 = vector.broadcast %sub3A_599 : i32 to vector<1280x64xi32>
    %sub3A_601 = arith.subi %div3A_575, %sub3A_600 : vector<1280x64xi32>
    %select_n3A_602 = arith.select %and3A_598, %sub3A_601, %div3A_575 : vector<1280x64xi1>, vector<1280x64xi32>
    %iota3A_603 = tpu.iota {dimensions = array<i32: 1>} : vector<1280x64xi32>
    %eq3A_604 = arith.cmpi eq, %select_n3A_602, %iota3A_603 : vector<1280x64xi32>
    %convert_element_type3A_605 = arith.extui %eq3A_604 : vector<1280x64xi1> to vector<1280x64xi32>
    %convert_element_type3A_606 = arith.sitofp %convert_element_type3A_605 : vector<1280x64xi32> to vector<1280x64xf32>
    %convert_element_type3A_607 = arith.truncf %convert_element_type3A_606 : vector<1280x64xf32> to vector<1280x64xbf16>
    %convert_element_type3A_608 = arith.truncf %select_n3A_566 : vector<64x1024xf32> to vector<64x1024xbf16>
    %convert_element_type3A_609 = arith.extf %convert_element_type3A_608 : vector<64x1024xbf16> to vector<64x1024xf32>
    %sub3A_610 = arith.subf %select_n3A_566, %convert_element_type3A_609 : vector<64x1024xf32>
    %convert_element_type3A_611 = arith.truncf %sub3A_610 : vector<64x1024xf32> to vector<64x1024xbf16>
    %dot_general3A_612 = arith.constant dense<0.000000e+00> : vector<1280x1024xf32>
    %dot_general3A_613 = tpu.matmul %convert_element_type3A_607, %convert_element_type3A_608, %dot_general3A_612 {dimension_numbers = #tpu.dot_dimension_numbers<[1], [0], [0], [1], [0, 0, 1, 1], [], []>, transpose_lhs_hint = false} : vector<1280x64xbf16>, vector<64x1024xbf16>, vector<1280x1024xf32> -> vector<1280x1024xf32>
    %add3A_614 = arith.constant 0.000000e+00 : f32
    %add3A_615 = vector.broadcast %add3A_614 : f32 to vector<1280x1024xf32>
    %add3A_616 = arith.addf %add3A_615, %dot_general3A_613 : vector<1280x1024xf32>
    %dot_general3A_617 = arith.constant dense<0.000000e+00> : vector<1280x1024xf32>
    %dot_general3A_618 = tpu.matmul %convert_element_type3A_607, %convert_element_type3A_611, %dot_general3A_617 {dimension_numbers = #tpu.dot_dimension_numbers<[1], [0], [0], [1], [0, 0, 1, 1], [], []>, transpose_lhs_hint = false} : vector<1280x64xbf16>, vector<64x1024xbf16>, vector<1280x1024xf32> -> vector<1280x1024xf32>
    %add3A_619 = arith.addf %add3A_616, %dot_general3A_618 : vector<1280x1024xf32>
    %iota3A_620 = tpu.iota {dimensions = array<i32: 1>} : vector<20x1280xi32>
    %jit3A_621 = arith.constant 20 : i32
    %eq3A_622 = arith.constant 0 : i32
    %eq3A_623 = arith.cmpi eq, %jit3A_621, %eq3A_622 : i32
    %jit3A_624 = arith.constant 1 : i32
    %select_n3A_625 = arith.select %eq3A_623, %jit3A_624, %jit3A_621 : i32
    %rem3A_626 = vector.broadcast %select_n3A_625 : i32 to vector<20x1280xi32>
    %rem3A_627 = arith.remsi %iota3A_620, %rem3A_626 : vector<20x1280xi32>
    %ne3A_628 = arith.constant 0 : i32
    %ne3A_629 = vector.broadcast %ne3A_628 : i32 to vector<20x1280xi32>
    %ne3A_630 = arith.cmpi ne, %rem3A_627, %ne3A_629 : vector<20x1280xi32>
    %lt3A_631 = arith.constant 0 : i32
    %lt3A_632 = vector.broadcast %lt3A_631 : i32 to vector<20x1280xi32>
    %lt3A_633 = arith.cmpi slt, %rem3A_627, %lt3A_632 : vector<20x1280xi32>
    %lt3A_634 = arith.constant 0 : i32
    %lt3A_635 = arith.cmpi slt, %select_n3A_625, %lt3A_634 : i32
    %ne3A_636 = vector.broadcast %lt3A_635 : i1 to vector<20x1280xi1>
    %ne3A_637 = vector.broadcast %ne3A_636 : vector<20x1280xi1> to vector<20x1280xi1>
    %ne3A_638 = arith.xori %lt3A_633, %ne3A_637 : vector<20x1280xi1>
    %and3A_639 = arith.andi %ne3A_638, %ne3A_630 : vector<20x1280xi1>
    %add3A_640 = vector.broadcast %select_n3A_625 : i32 to vector<20x1280xi32>
    %add3A_641 = arith.addi %rem3A_627, %add3A_640 : vector<20x1280xi32>
    %select_n3A_642 = arith.select %and3A_639, %add3A_641, %rem3A_627 : vector<20x1280xi1>, vector<20x1280xi32>
    %iota3A_643 = tpu.iota {dimensions = array<i32: 0>} : vector<20x1280xi32>
    %eq3A_644 = arith.cmpi eq, %select_n3A_642, %iota3A_643 : vector<20x1280xi32>
    %convert_element_type3A_645 = arith.extui %eq3A_644 : vector<20x1280xi1> to vector<20x1280xi32>
    %convert_element_type3A_646 = arith.sitofp %convert_element_type3A_645 : vector<20x1280xi32> to vector<20x1280xf32>
    %convert_element_type3A_647 = arith.truncf %convert_element_type3A_646 : vector<20x1280xf32> to vector<20x1280xbf16>
    %mul3A_648 = arith.mulf %add3A_619, %add3A_246 : vector<1280x1024xf32>
    %convert_element_type3A_649 = arith.truncf %mul3A_648 : vector<1280x1024xf32> to vector<1280x1024xbf16>
    %convert_element_type3A_650 = arith.extf %convert_element_type3A_649 : vector<1280x1024xbf16> to vector<1280x1024xf32>
    %sub3A_651 = arith.subf %mul3A_648, %convert_element_type3A_650 : vector<1280x1024xf32>
    %convert_element_type3A_652 = arith.truncf %sub3A_651 : vector<1280x1024xf32> to vector<1280x1024xbf16>
    %dot_general3A_653 = arith.constant dense<0.000000e+00> : vector<20x1024xf32>
    %dot_general3A_654 = tpu.matmul %convert_element_type3A_647, %convert_element_type3A_649, %dot_general3A_653 {dimension_numbers = #tpu.dot_dimension_numbers<[1], [0], [0], [1], [0, 0, 1, 1], [], []>, transpose_lhs_hint = false} : vector<20x1280xbf16>, vector<1280x1024xbf16>, vector<20x1024xf32> -> vector<20x1024xf32>
    %add3A_655 = arith.constant 0.000000e+00 : f32
    %add3A_656 = vector.broadcast %add3A_655 : f32 to vector<20x1024xf32>
    %add3A_657 = arith.addf %add3A_656, %dot_general3A_654 : vector<20x1024xf32>
    %dot_general3A_658 = arith.constant dense<0.000000e+00> : vector<20x1024xf32>
    %dot_general3A_659 = tpu.matmul %convert_element_type3A_647, %convert_element_type3A_652, %dot_general3A_658 {dimension_numbers = #tpu.dot_dimension_numbers<[1], [0], [0], [1], [0, 0, 1, 1], [], []>, transpose_lhs_hint = false} : vector<20x1280xbf16>, vector<1280x1024xbf16>, vector<20x1024xf32> -> vector<20x1024xf32>
    %add3A_660 = arith.addf %add3A_657, %dot_general3A_659 : vector<20x1024xf32>
    %transpose3A_661 = tpu.transpose %slice3A, [1, 0] : vector<1024x20xf32> -> vector<20x1024xf32>
    %mul3A_662 = arith.constant 2.71828175 : f32
    %mul3A_663 = vector.broadcast %mul3A_662 : f32 to vector<20x1024xf32>
    %mul3A_664 = arith.mulf %mul3A_663, %transpose3A_661 : vector<20x1024xf32>
    %add3A_665 = arith.addf %add3A_660, %mul3A_664 : vector<20x1024xf32>
    %div3A_666 = vector.broadcast %add3A_572 : vector<1x1024xf32> to vector<20x1024xf32>
    %div3A_667 = arith.divf %add3A_665, %div3A_666 : vector<20x1024xf32>
    %transpose3A_668 = tpu.transpose %div3A_667, [1, 0] : vector<20x1024xf32> -> vector<1024x20xf32>
    %swap3A = arith.constant 0 : index
    %swap3A_669 = arith.constant 0 : index
    %swap3A_670 = arith.constant 0 : index
    %swap3A_671 = vector.load %arg20[%swap3A, %swap3A_669, %swap3A_670] : memref<1x1024x20xf32, #tpu.memory_space<vmem>>, vector<1x1024x20xf32>
    %swap3A_672 = vector.shape_cast %swap3A_671 : vector<1x1024x20xf32> to vector<1024x20xf32>
    %swap3A_673 = vector.shape_cast %transpose3A_668 : vector<1024x20xf32> to vector<1x1024x20xf32>
    tpu.vector_store %arg20[%swap3A, %swap3A_669, %swap3A_670], %swap3A_673 {strides = array<i32>} : memref<1x1024x20xf32, #tpu.memory_space<vmem>>, vector<1x1024x20xf32>,
    return
  }
  func.func @transform_0(%arg0: i32) -> (i32, i32, i32) {
    %ge3A = arith.constant 4 : i32
    %ge3A_0 = arith.cmpi sge, %arg0, %ge3A : i32
    %sub3A = arith.constant 4 : i32
    %sub3A_1 = arith.subi %arg0, %sub3A : i32
    %select_n3A = arith.select %ge3A_0, %sub3A_1, %arg0 : i32
    %c0_i32 = arith.constant 0 : i32
    %c0_i32_2 = arith.constant 0 : i32
    %c0_i32_3 = arith.constant 0 : i32
    return %select_n3A, %c0_i32, %c0_i32_2 : i32, i32, i32
  }
  func.func @transform_1(%arg0: i32) -> (i32, i32, i32) {
    %ge3A = arith.constant 3 : i32
    %ge3A_0 = arith.cmpi sge, %arg0, %ge3A : i32
    %sub3A = arith.constant 3 : i32
    %sub3A_1 = arith.subi %arg0, %sub3A : i32
    %select_n3A = arith.select %ge3A_0, %sub3A_1, %arg0 : i32
    %c0_i32 = arith.constant 0 : i32
    %c0_i32_2 = arith.constant 0 : i32
    %c0_i32_3 = arith.constant 0 : i32
    return %select_n3A, %c0_i32, %c0_i32_2 : i32, i32, i32
  }
  func.func @transform_2(%arg0: i32) -> (i32, i32, i32) {
    %ge3A = arith.constant 2 : i32
    %ge3A_0 = arith.cmpi sge, %arg0, %ge3A : i32
    %sub3A = arith.constant 2 : i32
    %sub3A_1 = arith.subi %arg0, %sub3A : i32
    %select_n3A = arith.select %ge3A_0, %sub3A_1, %arg0 : i32
    %c0_i32 = arith.constant 0 : i32
    %c0_i32_2 = arith.constant 0 : i32
    %c0_i32_3 = arith.constant 0 : i32
    return %select_n3A, %c0_i32, %c0_i32_2 : i32, i32, i32
  }
  func.func @transform_3(%arg0: i32) -> (i32, i32, i32) {
    %ge3A = arith.constant 1 : i32
    %ge3A_0 = arith.cmpi sge, %arg0, %ge3A : i32
    %sub3A = arith.constant 1 : i32
    %sub3A_1 = arith.subi %arg0, %sub3A : i32
    %select_n3A = arith.select %ge3A_0, %sub3A_1, %arg0 : i32
    %c0_i32 = arith.constant 0 : i32
    %c0_i32_2 = arith.constant 0 : i32
    %c0_i32_3 = arith.constant 0 : i32
    return %select_n3A, %c0_i32, %c0_i32_2 : i32, i32, i32
  }
  func.func @transform_4(%arg0: i32) -> (i32, i32, i32) {
    %ge3A = arith.constant 0 : i32
    %ge3A_0 = arith.cmpi sge, %arg0, %ge3A : i32
    %sub3A = arith.constant 0 : i32
    %sub3A_1 = arith.subi %arg0, %sub3A : i32
    %select_n3A = arith.select %ge3A_0, %sub3A_1, %arg0 : i32
    %c0_i32 = arith.constant 0 : i32
    %c0_i32_2 = arith.constant 0 : i32
    %c0_i32_3 = arith.constant 0 : i32
    return %select_n3A, %c0_i32, %c0_i32_2 : i32, i32, i32
  }
  func.func @transform_5(%arg0: i32) -> (i32, i32, i32) {
    %c0_i32 = arith.constant 0 : i32
    %c0_i32_0 = arith.constant 0 : i32
    %c0_i32_1 = arith.constant 0 : i32
    return %arg0, %c0_i32, %c0_i32_0 : i32, i32, i32
  }
  func.func @transform_6(%arg0: i32) -> (i32, i32, i32) {
    %c0_i32 = arith.constant 0 : i32
    %c0_i32_0 = arith.constant 0 : i32
    %c0_i32_1 = arith.constant 0 : i32
    return %arg0, %c0_i32, %c0_i32_0 : i32, i32, i32
  }
  func.func @transform_7(%arg0: i32) -> (i32, i32) {
    %c0_i32 = arith.constant 0 : i32
    %c0_i32_0 = arith.constant 0 : i32
    %c0_i32_1 = arith.constant 0 : i32
    return %c0_i32, %c0_i32_0 : i32, i32
  }
  func.func @transform_8(%arg0: i32) -> (i32, i32) {
    %c0_i32 = arith.constant 0 : i32
    %c0_i32_0 = arith.constant 0 : i32
    %c0_i32_1 = arith.constant 0 : i32
    return %c0_i32, %c0_i32_0 : i32, i32
  }
  func.func @transform_9(%arg0: i32) -> (i32, i32) {
    %c0_i32 = arith.constant 0 : i32
    %c0_i32_0 = arith.constant 0 : i32
    %c0_i32_1 = arith.constant 0 : i32
    return %c0_i32, %c0_i32_0 : i32, i32
  }
  func.func @transform_10(%arg0: i32) -> (i32, i32) {
    %c0_i32 = arith.constant 0 : i32
    %c0_i32_0 = arith.constant 0 : i32
    %c0_i32_1 = arith.constant 0 : i32
    return %c0_i32, %c0_i32_0 : i32, i32
  }
  func.func @transform_11(%arg0: i32) -> (i32, i32) {
    %c0_i32 = arith.constant 0 : i32
    %c0_i32_0 = arith.constant 0 : i32
    %c0_i32_1 = arith.constant 0 : i32
    return %c0_i32, %c0_i32_0 : i32, i32
  }
  func.func @transform_12(%arg0: i32) -> (i32, i32) {
    %c0_i32 = arith.constant 0 : i32
    %c0_i32_0 = arith.constant 0 : i32
    %c0_i32_1 = arith.constant 0 : i32
    return %c0_i32, %c0_i32_0 : i32, i32
  }
  func.func @transform_13(%arg0: i32) -> (i32, i32) {
    %c0_i32 = arith.constant 0 : i32
    %c0_i32_0 = arith.constant 0 : i32
    %c0_i32_1 = arith.constant 0 : i32
    return %c0_i32, %c0_i32_0 : i32, i32
  }
  func.func @transform_14(%arg0: i32) -> (i32, i32) {
    %c0_i32 = arith.constant 0 : i32
    %c0_i32_0 = arith.constant 0 : i32
    %c0_i32_1 = arith.constant 0 : i32
    return %c0_i32, %c0_i32_0 : i32, i32
  }
  func.func @transform_15(%arg0: i32) -> (i32, i32) {
    %c0_i32 = arith.constant 0 : i32
    %c0_i32_0 = arith.constant 0 : i32
    %c0_i32_1 = arith.constant 0 : i32
    return %c0_i32, %c0_i32_0 : i32, i32
  }
  func.func @transform_16(%arg0: i32) -> (i32, i32) {
    %c0_i32 = arith.constant 0 : i32
    %c0_i32_0 = arith.constant 0 : i32
    %c0_i32_1 = arith.constant 0 : i32
    return %c0_i32, %c0_i32_0 : i32, i32
  }
  func.func @transform_17(%arg0: i32) -> (i32, i32) {
    %c0_i32 = arith.constant 0 : i32
    %c0_i32_0 = arith.constant 0 : i32
    %c0_i32_1 = arith.constant 0 : i32
    return %c0_i32, %c0_i32_0 : i32, i32
  }
  func.func @transform_18(%arg0: i32) -> (i32, i32) {
    %c0_i32 = arith.constant 0 : i32
    %c0_i32_0 = arith.constant 0 : i32
    %c0_i32_1 = arith.constant 0 : i32
    return %c0_i32, %c0_i32_0 : i32, i32
  }
  func.func @transform_19(%arg0: i32) -> (i32, i32, i32) {
    %c0_i32 = arith.constant 0 : i32
    %c0_i32_0 = arith.constant 0 : i32
    %c0_i32_1 = arith.constant 0 : i32
    return %arg0, %c0_i32, %c0_i32_0 : i32, i32, i32
  }
}

</mosaic_0001>

<sc_bundles>
// kernel: kernel.5.cloned.1.call-start
scs
__scs_entry_jumppad:
0x0: {  	(pc) =	sbr.rel $0x88, $3  }
0x1: {  	(tag) =	ssettag $0x0;
	lr =	simm.s32 $0x1  }
0x2: {  	[smem:$0x3F8F] =	sst lr;
	_ =	strace $0xD0000000  }
0x3: {  	_ = 	snop  }
0x4: {  	_ = 	snop  }
0x5: {  	_ = 	snop  }
0x6: {  	_ = 	snop  }
0x7: {  	_ = 	snop  }
__scs_overlays_trampoline_lowered:
0x8: {  	[smem:$0x3F9E] =	sst s0  }
0x9: {  	[smem:$0x3F9F] =	sst s1  }
0xa: {  	[smem:$0x3FA0] =	sst s2  }
0xb: {  	[smem:$0x3FA1] =	sst s3  }
0xc: {  	[smem:$0x3FA2] =	sst s4  }
0xd: {  	[smem:$0x3FA3] =	sst s5  }
0xe: {  	[smem:$0x3FA4] =	sst s6  }
0xf: {  	[smem:$0x3FA5] =	sst s7  }
0x10: {  	[smem:$0x3FA6] =	sst s8  }
0x11: {  	[smem:$0x3FA7] =	sst s9;
	s0 =	simm.s32 @!p0 $0x0  }
0x12: {  	s1 =	sld [smem:$0x3F8D];
	s0 =	simm.s32 @p0 $0x1  }
0x13: {  	[smem:$0x3FA8] =	sst s0;
	s0 =	simm.s32 @!p1 $0x0  }
0x14: {  	s2 =	sld [smem:$0x3F8C];
	s0 =	simm.s32 @p1 $0x1  }
0x15: {  	[smem:$0x3FA9] =	sst s0;
	s0 =	simm.s32 @!p2 $0x0  }
0x16: {  	s3 =	sld [smem:$0x3FDB];
	s0 =	simm.s32 @p2 $0x1  }
0x17: {  	s4 =	simm.s32 $0x1BF5;
	[smem:$0x3FAB] =	sst s0  }
0x18: {  	s0 =	sld [smem:$0x3F8E];
	_ =	swait.ge [sflag:s4], $0x0  }
0x19: {  	s7 =	sld [smem:$0x3F8F]  }
0x1a: {  	s8 =	sadd.s32 $0xFFFFE003, lr  }
0x1b: {  	s9 =	sadd.s32 $0xFFFFFEF7, lr;
	s5 =	simm.s32 $0xFFFFFFFF;
	p2 =	slt.u32 s8, $0xFFFFF086  }
0x1c: {  	p1 =	slt.u32 s9, $0xF7A;
	s5 =	simm.s32 @!p2 $0x0  }
0x1d: {  	s5 =	simm.s32 @p1 $0x1;
	p0 =	seq.s32 s7, s2  }
0x1e: {  	s7 =	smul.u32 @!p0 $0xF7A, s2;
	p2 =	seq.s32 @!p0 s5, $0x0  }
0x1f: {  	s9 =	smul.u32 $0xF7A, s1;
	s8 =	simm.s32 @!p0 $0x1BF5;
	p2 =	por !p2, p0  }
0x20: {  	[sflag:s8] =	ssyncset.s32 @!p0 $0xFFFFF086;
	s6 =	sadd.s32 @!p0 s3, s7;
	s7 =	simm.s32 @!p0 $0x108  }
0x21: {  	s3 =	sadd.s32 s3, s9;
	s6 =	sadd.s32 @!p0 $0x88, s6;
	s7 =	simm.s32 @p2 $0x1082  }
0x22: {  	[simem:s7], [sflag:s8] =	dma.local @!p0 [hbm:s6], $0xF7A  }
0x23: {  	s9 =	sor.u32 $0xD0000000, s2;
	s6 =	simm.s32 $0x108;
	_ =	swait.ge @!p0 [sflag:s8], $0x0  }
0x24: {  	s3 =	sadd.s32 $0x88, s3;
	s6 =	simm.s32 @!p1 $0x1082;
	[sflag:s4] =	ssyncset.s32 $0xFFFFF086  }
0x25: {  	[simem:s6], [sflag:s4] =	dma.local [hbm:s3], $0xF7A  }
0x26: {  	[smem:$0x3F8F] =	sst s1;
	(tag) =	ssettag s2;
	_ =	strace s9  }
0x27: {  	s1 =	sld [smem:$0x3F9F]  }
0x28: {  	s2 =	sld [smem:$0x3FA0]  }
0x29: {  	s4 =	sld [smem:$0x3FA2]  }
0x2a: {  	p0 =	seq.s32 s5, $0x0;
	s5 =	sld [smem:$0x3FA3]  }
0x2b: {  	s6 =	sld [smem:$0x3FA4]  }
0x2c: {  	s7 =	sld [smem:$0x3FA5]  }
0x2d: {  	s3 =	simm.s32 $0x108;
	s8 =	sld [smem:$0x3FA6]  }
0x2e: {  	s3 =	simm.s32 @!p0 $0x1082;
	s9 =	sld [smem:$0x3FA7]  }
0x2f: {  	lr =	sadd.s32 s0, s3;
	s0 =	sld [smem:$0x3F9E]  }
0x30: {  	s3 =	sld [smem:$0x3FA1]  }
0x31: {  	[smem:$0x3FAA] =	sst s10  }
0x32: {  	s10 =	sld [smem:$0x3FA8];
	_ =	sdelay $0x3  }
0x33: {  	p0 =	seq.s32 s10, $0x1;
	s10 =	sld [smem:$0x3FAA];
	_ =	sdelay $0x3  }
0x34: {  	[smem:$0x3FAA] =	sst s10  }
0x35: {  	s10 =	sld [smem:$0x3FA9];
	_ =	sdelay $0x3  }
0x36: {  	p1 =	seq.s32 s10, $0x1;
	s10 =	sld [smem:$0x3FAA];
	_ =	sdelay $0x3  }
0x37: {  	[smem:$0x3FAA] =	sst s10  }
0x38: {  	s10 =	sld [smem:$0x3FAB]  }
0x39: {  	_ = 	snop;
	(pc) =	sbr.ind lr, $3  }
0x3a: {  	_ = 	snop  }
0x3b: {  	_ = 	snop  }
0x3c: {  	p2 =	seq.s32 s10, $0x1;
	s10 =	sld [smem:$0x3FAA]  }
0x3d: {  	_ =	shalt  }
0x3e: {  	_ =	shalt  }
0x3f: {  	_ =	shalt  }
0x40: {  	_ =	shalt  }
0x41: {  	_ =	shalt  }
0x42: {  	_ =	shalt  }
0x43: {  	_ =	shalt  }
0x44: {  	_ =	shalt  }
0x45: {  	_ =	shalt  }
0x46: {  	_ =	shalt  }
0x47: {  	_ =	shalt  }
0x48: {  	_ =	shalt  }
0x49: {  	_ =	shalt  }
0x4a: {  	_ =	shalt  }
0x4b: {  	_ =	shalt  }
0x4c: {  	_ =	shalt  }
0x4d: {  	_ =	shalt  }
0x4e: {  	_ =	shalt  }
0x4f: {  	_ =	shalt  }
0x50: {  	_ =	shalt  }
0x51: {  	_ =	shalt  }
0x52: {  	_ =	shalt  }
0x53: {  	_ =	shalt  }
0x54: {  	_ =	shalt  }
0x55: {  	_ =	shalt  }
0x56: {  	_ =	shalt  }
0x57: {  	_ =	shalt  }
0x58: {  	_ =	shalt  }
0x59: {  	_ =	shalt  }
0x5a: {  	_ =	shalt  }
0x5b: {  	_ =	shalt  }
0x5c: {  	_ =	shalt  }
0x5d: {  	_ =	shalt  }
0x5e: {  	_ =	shalt  }
0x5f: {  	_ =	shalt  }
0x60: {  	_ =	shalt  }
0x61: {  	_ =	shalt  }
0x62: {  	_ =	shalt  }
0x63: {  	_ =	shalt  }
0x64: {  	_ =	shalt  }
0x65: {  	_ =	shalt  }
0x66: {  	_ =	shalt  }
0x67: {  	_ =	shalt  }
0x68: {  	_ =	shalt  }
0x69: {  	_ =	shalt  }
0x6a: {  	_ =	shalt  }
0x6b: {  	_ =	shalt  }
0x6c: {  	_ =	shalt  }
0x6d: {  	_ =	shalt  }
0x6e: {  	_ =	shalt  }
0x6f: {  	_ =	shalt  }
0x70: {  	_ =	shalt  }
0x71: {  	_ =	shalt  }
0x72: {  	_ =	shalt  }
0x73: {  	_ =	shalt  }
0x74: {  	_ =	shalt  }
0x75: {  	_ =	shalt  }
0x76: {  	_ =	shalt  }
0x77: {  	_ =	shalt  }
0x78: {  	_ =	shalt  }
0x79: {  	_ =	shalt  }
0x7a: {  	_ =	shalt  }
0x7b: {  	_ =	shalt  }
0x7c: {  	_ =	shalt  }
0x7d: {  	_ =	shalt  }
0x7e: {  	_ =	shalt  }
0x7f: {  	_ =	shalt  }
0x80: {  	_ =	shalt  }
0x81: {  	_ =	shalt  }
0x82: {  	_ =	shalt  }
0x83: {  	_ =	shalt  }
0x84: {  	_ =	shalt  }
0x85: {  	_ =	shalt  }
0x86: {  	_ =	shalt  }
0x87: {  	_ =	shalt  }
.Lfunc_end0:
.L_simem_size_0:
called_computation_lowered:
.L_overlay_start_0:
0x88: {  	s2 =	sld [smem:$0x3FD9]  }
0x89: {  	s3 =	sld [smem:$0x3FFE];
	_ =	sdelay $0x1  }
0x8a: {  	s1 =	srdreg.scid  }
0x8b: {  	s0 =	sand.u32 $0x1, s1  }
0x8c: {  	s17 =	sshll.u32 s0, $0xA;
	s2 =	sadd.s32 s3, s2  }
0x8d: {  	s2 =	sadd.s32 s2, s17  }
0x8e: {  	[smem:$0x3FB6] =	sst s2  }
0x8f: {  	_ = 	snop  }
0x90: {  	s2 =	sld [smem:$0x3FC6]  }
0x91: {  	s18 =	sld [smem:$0x3FD0];
	(tm) =	ssettm $0x1  }
0x92: {  	s4 =	sld [smem:$0x3FFB];
	_ =	sdelay $0x3  }
0x93: {  	_ =	strace s4  }
0x94: {  	s4 =	sld [smem:$0x3FFC];
	_ =	sdelay $0x3  }
0x95: {  	_ =	strace s4  }
0x96: {  	s4 =	sld [smem:$0x3FFD];
	_ =	sdelay $0x3  }
0x97: {  	_ =	strace s4  }
0x98: {  	_ =	strace $0x8FFFFFFF  }
0x99: {  	s19 =	sld [smem:$0x3FDB];
	_ =	sdelay $0x1  }
0x9a: {  	s5 =	simm.s32 $_scs_section_size  }
0x9b: {  	s6 =	simm.s32 $_size__tile_overlayer_lowered;
	s7 =	simm.s32 $_tile_overlayer_lowered  }
0x9c: {  	s22 =	simm.s32 $0x1BFF;
	s21 =	sshll.u32 s7, $0x1;
	s4 =	sadd.s32 s5, s19  }
0x9d: {  	s8 =	simm.s32 $0x0;
	s20 =	sshll.u32 s6, $0x1;
	s6 =	sadd.s32 s21, s4  }
0x9e: {  	[timem:s8], [sflag:s22] =	dma.local [hbm:s6], s20  }
0x9f: {  	_ =	swait.ge [sflag:s22], s20  }
0xa0: {  	s5 =	ssub.s32 $0x0, s20;
	[sflag:s22] =	ssyncset.done $0x0  }
0xa1: {  	[sflag:s22] =	ssyncadd.s32 s5;
	_ =	sdelay $0x1  }
0xa2: {  	s23 =	simm.s32 $0x1B8B  }
0xa3: {  	_ =	swait.ge [sflag:s23], $0x1  }
0xa4: {  	[sflag:s23] =	ssyncset.done $0x0  }
0xa5: {  	s25 =	simm.s32 $0x1B8E;
	s24 =	sld [smem:$0x3FFE];
	[sflag:s23] =	ssyncadd.s32 $0xFFFFFFFF  }
0xa6: {  	s26 =	simm.s32 $execute0_lowered;
	[smem:$0x3FD2] =	sst s25  }
0xa7: {  	s6 =	sshll.u32 s26, $0x1;
	_ =	strace $0x80000046;
	[dreg:$0x1] =	wrdreg $0xFFFFFFFF  }
0xa8: {  	s28 =	simm.s32 $_size_execute0_lowered;
	s4 =	sadd.s32 s4, s6;
	[dreg:$0x0] =	wrdreg $0x0  }
0xa9: {  	s6 =	sshll.u32 s28, $0x1;
	[dreg:$0x2] =	wrdreg s4  }
0xaa: {  	[dreg:$0x3] =	wrdreg s6  }
0xab: {  	[dreg:$0x4] =	wrdreg $0xC0  }
0xac: {  	_ =	task [dreg:s8], $0x5FFFF  }
0xad: {  	[dreg:$0x1] =	wrdreg $0xFFFFFFFF  }
0xae: {  	[dreg:$0x0] =	wrdreg $0x60  }
0xaf: {  	[dreg:$0x2] =	wrdreg s24  }
0xb0: {  	[dreg:$0x3] =	wrdreg s2  }
0xb1: {  	[dreg:$0x4] =	wrdreg s18  }
0xb2: {  	[dreg:$0x5] =	wrdreg $0x9  }
0xb3: {  	_ =	task.clear_ibuf [dreg:s8], $0x6FFFF;
	_ =	strace $0x90000046  }
0xb4: {  	s29 =	simm.s32 $0x9;
	_ =	strace $0x80000048  }
0xb5: {  	_ =	swait.ge [sflag:s29], $0x1  }
0xb6: {  	[sflag:s29] =	ssyncadd.s32 $0xFFFFFFFF  }
0xb7: {  	_ =	strace $0x90000048  }
0xb8: {  	_ =	sfence  }
0xb9: {  	s30 =	sld [smem:$0x0];
	_ =	sdelay $0x2  }
0xba: {  	s31 =	sshll.u32 s1, $0xD;
	s1 =	sshrl.u32 s1, $0x2  }
0xbb: {  	s3 =	sand.u32 $0x4000, s31;
	s1 =	sadd.s32 s1, s30  }
0xbc: {  	s0 =	sor.u32 s3, s0;
	s1 =	sshll.u32 s1, $0x11  }
0xbd: {  	s0 =	sor.u32 s1, s0  }
0xbe: {  	s0 =	sadd.s32 $0x8F2B, s0  }
0xbf: {  	[sflag:s0] =	ssyncadd.remote.s32 $0x1  }
0xc0: {  	_ =	sfence.sel $0xFFFF  }
0xc1: {  	[dreg:$0x0] =	wrdreg $0xFFFFFFFF;
	(pc) =	sbr.abs _section_cstart, $3  }
0xc2: {  	[dreg:$0x1] =	wrdreg $0xFFFFFFFF  }
0xc3: {  	_ =	task.clear_ibuf [dreg:s8], $0x2FFFF;
	_ =	strace $0x9FFFFFFF  }
0xc4: {  	(tm) =	ssettm $0x7FFFFFFF  }
0xc5: {  	_ =	shalt  }
tec
execute0_lowered:
.L_overlay_start_1:
0x0: {  	(tag) =	ssettag $0x1  }
0x1: {  	s1 =	srdreg.scid;
	s0 =	stileid.u32  }
0x2: {  	s16 =	rddreg [dreg:$0x0];
	s24 =	sand.u32 $0x1, s1;
	s28 =	sshll.u32 s0, $0x1  }
0x3: {  	s2 =	rddreg [dreg:$0x1];
	s26 =	sor.u32 s24, s28  }
0x4: {  	s25 =	rddreg [dreg:$0x2];
	s4 =	smul.u32 $0xC8, s26  }
0x5: {  	s3 =	simm.s32 $0x0;
	s1 =	rddreg [dreg:$0x3]  }
0x6: {  	[smem:$0x7FF] =	sst s3;
	s28 =	sadd.s32 s4, s16  }
0x7: {  	_ =	strace $0x80000047;
	s4 =	simm.s32 $0x4;
	s5 =	sadd.s32 $0x189400, s28  }
0x8: {  	[tilespmem:s3], [sflag:$0x4] =	stream.linear.gather [hbm4b:s5+s3], $0x640, $0x38;
	[tilespmem:$0x11580] =	vst v63  }
0x9: {  	_ =	swait.ge [sflag:s4], $0x640  }
0xa: {  	s7 =	simm.s32 $0xCE80;
	s6 =	sshll.u32 s26, $0x4;
	[sflag:s4] =	ssyncset.done $0x0  }
0xb: {  	s8 =	sadd.s32 s6, s16;
	s6 =	simm.s32 $0x640;
	[sflag:s4] =	ssyncadd.s32 $0xFFFFF9C0  }
0xc: {  	[tilespmem:s7], [sflag:$0x2] =	stream.indirect.gather [hbm4b:s2+s6], $0x1, s3, s6, $0xb8;
	[tilespmem:$0x11580] =	vst v63  }
0xd: {  	s9 =	simm.s32 $0xD500;
	s8 =	sadd.s32 $0x18AE00, s8  }
0xe: {  	[tilespmem:s9], [sflag:$0x4] =	stream.linear.gather [hbm4b:s8+s3], $0x80, $0x38;
	[tilespmem:$0x11580] =	vst v63  }
0xf: {  	_ =	swait.ge [sflag:s4], $0x80  }
0x10: {  	s11 =	simm.s32 $0x80;
	[sflag:s4] =	ssyncset.done $0x0  }
0x11: {  	s12 =	simm.s32 $0xD580;
	s10 =	sadd.s32 $0x18B000, s16;
	[sflag:s4] =	ssyncadd.s32 $0xFFFFFF80  }
0x12: {  	[tilespmem:s12], [sflag:$0x3] =	stream.indirect.gather [hbm4b:s10+s11], $0x80, s9, s11, $0xb8;
	[tilespmem:$0x11580] =	vst v63  }
0x13: {  	s13 =	simm.s32 $0x190;
	s14 =	simm.s32 $0x680;
	s15 =	simm.s32 $0x1  }
0x14: {  	[tilespmem:s14], [sflag:$0x1] =	stream.indirect.gather [hbm4b:s10+s13], $0x80, s3, s13, $0xb8;
	[tilespmem:$0x11580] =	vst v63  }
0x15: {  	s17 =	smul.u32 $0x6400, s26;
	_ =	swait.ge [sflag:s15], $0xC800  }
0x16: {  	s18 =	sadd.s32 $0x4400, s16;
	[sflag:s15] =	ssyncset.done $0x0  }
0x17: {  	s16 =	sadd.s32 s18, s17;
	[sflag:s15] =	ssyncadd.s32 $0xFFFF3800  }
0x18: {  	[hbm4b:s16+s3] =	stream.linear.scatter [tilespmem:s14], [sflag:$0x4], $0xC800, $0x38;
	[tilespmem:$0x11580] =	vst v63  }
0x19: {  	_ =	swait.ge [sflag:s4], $0xC800  }
0x1a: {  	[sflag:s4] =	ssyncset.done $0x0  }
0x1b: {  	s29 =	smul.u32 $0x32000, s26;
	[sflag:s4] =	ssyncadd.s32 $0xFFFF3800  }
0x1c: {  	[tilespmem:s14], [sflag:$0x1] =	stream.indirect.gather [hbm4b:s10+s13], $0x80, s13, s13, $0xb8;
	[tilespmem:$0x11580] =	vst v63  }
0x1d: {  	s17 =	sshrl.u32 s29, $0x3;
	_ =	swait.ge [sflag:s15], $0xC800  }
0x1e: {  	s21 =	sadd.s32 s18, s17;
	[sflag:s15] =	ssyncset.done $0x0  }
0x1f: {  	s17 =	sadd.s32 $0x1900, s21;
	[sflag:s15] =	ssyncadd.s32 $0xFFFF3800  }
0x20: {  	[hbm4b:s17+s3] =	stream.linear.scatter [tilespmem:s14], [sflag:$0x4], $0xC800, $0x38;
	[tilespmem:$0x11580] =	vst v63  }
0x21: {  	_ =	swait.ge [sflag:s4], $0xC800  }
0x22: {  	[sflag:s4] =	ssyncset.done $0x0  }
0x23: {  	s18 =	simm.s32 $0x320;
	[sflag:s4] =	ssyncadd.s32 $0xFFFF3800  }
0x24: {  	[tilespmem:s14], [sflag:$0x1] =	stream.indirect.gather [hbm4b:s10+s13], $0x80, s18, s13, $0xb8;
	[tilespmem:$0x11580] =	vst v63  }
0x25: {  	_ =	swait.ge [sflag:s15], $0xC800  }
0x26: {  	[sflag:s15] =	ssyncset.done $0x0  }
0x27: {  	s19 =	sadd.s32 $0x3200, s21;
	[sflag:s15] =	ssyncadd.s32 $0xFFFF3800  }
0x28: {  	[hbm4b:s19+s3] =	stream.linear.scatter [tilespmem:s14], [sflag:$0x4], $0xC800, $0x38;
	[tilespmem:$0x11580] =	vst v63  }
0x29: {  	_ =	swait.ge [sflag:s4], $0xC800  }
0x2a: {  	[sflag:s4] =	ssyncset.done $0x0  }
0x2b: {  	s20 =	simm.s32 $0x4B0;
	[sflag:s4] =	ssyncadd.s32 $0xFFFF3800  }
0x2c: {  	[tilespmem:s14], [sflag:$0x1] =	stream.indirect.gather [hbm4b:s10+s13], $0x80, s20, s13, $0xb8;
	[tilespmem:$0x11580] =	vst v63  }
0x2d: {  	_ =	swait.ge [sflag:s15], $0xC800  }
0x2e: {  	[sflag:s15] =	ssyncset.done $0x0  }
0x2f: {  	s21 =	sadd.s32 $0x4B00, s21;
	[sflag:s15] =	ssyncadd.s32 $0xFFFF3800  }
0x30: {  	[hbm4b:s21+s3] =	stream.linear.scatter [tilespmem:s14], [sflag:$0x4], $0xC800, $0x38;
	[tilespmem:$0x11580] =	vst v63  }
0x31: {  	_ =	swait.ge [sflag:s4], $0xC800  }
0x32: {  	[sflag:s4] =	ssyncset.done $0x0  }
0x33: {  	s22 =	simm.s32 $0x2;
	[sflag:s4] =	ssyncadd.s32 $0xFFFF3800  }
0x34: {  	_ =	swait.ge [sflag:s22], $0x640  }
0x35: {  	[sflag:s22] =	ssyncset.done $0x0  }
0x36: {  	s23 =	simm.s32 $0x3;
	s29 =	ssub.s32 $0x2, s24;
	[sflag:s22] =	ssyncadd.s32 $0xFFFFF9C0  }
0x37: {  	s30 =	sshrl.u32 s29, $0x1;
	_ =	swait.ge [sflag:s23], $0x4000  }
0x38: {  	s24 =	sadd.s32 $0x2A00, s28;
	s28 =	ssub.s32 s29, s30;
	[sflag:s23] =	ssyncset.done $0x0  }
0x39: {  	s31 =	smax.u32 s28, $0x1;
	[sflag:s23] =	ssyncadd.s32 $0xFFFFC000  }
0x3a: {  	[hbm4b:s24+s3] =	stream.linear.scatter [tilespmem:s7], [sflag:$0x4], $0x640, $0x38;
	[tilespmem:$0x11580] =	vst v63  }
0x3b: {  	p0 =	sne.s32 s31, $0x1;
	_ =	swait.ge [sflag:s4], $0x640  }
.Ltmp0:
0x3c: {  	s26 =	sshll.u32 s26, $0xB;
	[sflag:s4] =	ssyncset.done $0x0;
	(pc) =	sbr.rel @!p0 .LBB2_2-.Ltmp0, $4  }
0x3d: {  	s25 =	sadd.s32 s25, s26;
	[sflag:s4] =	ssyncadd.s32 $0xFFFFF9C0  }
0x3e: {  	[hbm4b:s25+s3] =	stream.linear.scatter [tilespmem:s12], [sflag:$0x4], $0x4000, $0x38;
	[tilespmem:$0x11580] =	vst v63  }
0x3f: {  	_ =	swait.ge [sflag:s4], $0x4000  }
0x40: {  	s26 =	sadd.s32 $0xFFFFFFFF, s31;
	[sflag:s4] =	ssyncset.done $0x0  }
.LBB2_1:
0x41: {  	p0 =	sne.s32 s26, $0x1;
	s26 =	sadd.s32 $0xFFFFFFFF, s26;
	[sflag:s4] =	ssyncadd.s32 $0xFFFFC000  }
0x42: {  	[tilespmem:s3], [sflag:$0x4] =	stream.linear.gather [hbm4b:s5+s3], $0x640, $0x38;
	[tilespmem:$0x11580] =	vst v63  }
0x43: {  	_ =	swait.ge [sflag:s4], $0x640  }
0x44: {  	[sflag:s4] =	ssyncset.done $0x0  }
0x45: {  	[sflag:s4] =	ssyncadd.s32 $0xFFFFF9C0  }
0x46: {  	[tilespmem:s7], [sflag:$0x2] =	stream.indirect.gather [hbm4b:s2+s6], $0x1, s3, s6, $0xb8;
	[tilespmem:$0x11580] =	vst v63  }
0x47: {  	_ = 	snop  }
0x48: {  	[tilespmem:s9], [sflag:$0x4] =	stream.linear.gather [hbm4b:s8+s3], $0x80, $0x38;
	[tilespmem:$0x11580] =	vst v63  }
0x49: {  	_ =	swait.ge [sflag:s4], $0x80  }
0x4a: {  	[sflag:s4] =	ssyncset.done $0x0  }
0x4b: {  	[sflag:s4] =	ssyncadd.s32 $0xFFFFFF80  }
0x4c: {  	[tilespmem:s12], [sflag:$0x3] =	stream.indirect.gather [hbm4b:s10+s11], $0x80, s9, s11, $0xb8;
	[tilespmem:$0x11580] =	vst v63  }
0x4d: {  	_ = 	snop  }
0x4e: {  	[tilespmem:s14], [sflag:$0x1] =	stream.indirect.gather [hbm4b:s10+s13], $0x80, s3, s13, $0xb8;
	[tilespmem:$0x11580] =	vst v63  }
0x4f: {  	_ =	swait.ge [sflag:s15], $0xC800  }
0x50: {  	[sflag:s15] =	ssyncset.done $0x0  }
0x51: {  	[sflag:s15] =	ssyncadd.s32 $0xFFFF3800  }
0x52: {  	[hbm4b:s16+s3] =	stream.linear.scatter [tilespmem:s14], [sflag:$0x4], $0xC800, $0x38;
	[tilespmem:$0x11580] =	vst v63  }
0x53: {  	_ =	swait.ge [sflag:s4], $0xC800  }
0x54: {  	[sflag:s4] =	ssyncset.done $0x0  }
0x55: {  	[sflag:s4] =	ssyncadd.s32 $0xFFFF3800  }
0x56: {  	[tilespmem:s14], [sflag:$0x1] =	stream.indirect.gather [hbm4b:s10+s13], $0x80, s13, s13, $0xb8;
	[tilespmem:$0x11580] =	vst v63  }
0x57: {  	_ =	swait.ge [sflag:s15], $0xC800  }
0x58: {  	[sflag:s15] =	ssyncset.done $0x0  }
0x59: {  	[sflag:s15] =	ssyncadd.s32 $0xFFFF3800  }
0x5a: {  	[hbm4b:s17+s3] =	stream.linear.scatter [tilespmem:s14], [sflag:$0x4], $0xC800, $0x38;
	[tilespmem:$0x11580] =	vst v63  }
0x5b: {  	_ =	swait.ge [sflag:s4], $0xC800  }
0x5c: {  	[sflag:s4] =	ssyncset.done $0x0  }
0x5d: {  	[sflag:s4] =	ssyncadd.s32 $0xFFFF3800  }
0x5e: {  	[tilespmem:s14], [sflag:$0x1] =	stream.indirect.gather [hbm4b:s10+s13], $0x80, s18, s13, $0xb8;
	[tilespmem:$0x11580] =	vst v63  }
0x5f: {  	_ =	swait.ge [sflag:s15], $0xC800  }
0x60: {  	[sflag:s15] =	ssyncset.done $0x0  }
0x61: {  	[sflag:s15] =	ssyncadd.s32 $0xFFFF3800  }
0x62: {  	[hbm4b:s19+s3] =	stream.linear.scatter [tilespmem:s14], [sflag:$0x4], $0xC800, $0x38;
	[tilespmem:$0x11580] =	vst v63  }
0x63: {  	_ =	swait.ge [sflag:s4], $0xC800  }
0x64: {  	[sflag:s4] =	ssyncset.done $0x0  }
0x65: {  	[sflag:s4] =	ssyncadd.s32 $0xFFFF3800  }
0x66: {  	[tilespmem:s14], [sflag:$0x1] =	stream.indirect.gather [hbm4b:s10+s13], $0x80, s20, s13, $0xb8;
	[tilespmem:$0x11580] =	vst v63  }
0x67: {  	_ =	swait.ge [sflag:s15], $0xC800  }
0x68: {  	[sflag:s15] =	ssyncset.done $0x0  }
0x69: {  	[sflag:s15] =	ssyncadd.s32 $0xFFFF3800  }
0x6a: {  	[hbm4b:s21+s3] =	stream.linear.scatter [tilespmem:s14], [sflag:$0x4], $0xC800, $0x38;
	[tilespmem:$0x11580] =	vst v63  }
0x6b: {  	_ =	swait.ge [sflag:s4], $0xC800  }
0x6c: {  	[sflag:s4] =	ssyncset.done $0x0  }
0x6d: {  	[sflag:s4] =	ssyncadd.s32 $0xFFFF3800  }
0x6e: {  	_ =	swait.ge [sflag:s22], $0x640  }
0x6f: {  	[sflag:s22] =	ssyncset.done $0x0  }
0x70: {  	[sflag:s22] =	ssyncadd.s32 $0xFFFFF9C0  }
0x71: {  	_ =	swait.ge [sflag:s23], $0x4000  }
0x72: {  	[sflag:s23] =	ssyncset.done $0x0  }
0x73: {  	[sflag:s23] =	ssyncadd.s32 $0xFFFFC000  }
0x74: {  	[hbm4b:s24+s3] =	stream.linear.scatter [tilespmem:s7], [sflag:$0x4], $0x640, $0x38;
	[tilespmem:$0x11580] =	vst v63  }
0x75: {  	_ =	swait.ge [sflag:s4], $0x640  }
.Ltmp1:
0x76: {  	[sflag:s4] =	ssyncset.done $0x0;
	(pc) =	sbr.rel @p0 .LBB2_1-.Ltmp1, $4  }
0x77: {  	[sflag:s4] =	ssyncadd.s32 $0xFFFFF9C0  }
0x78: {  	[hbm4b:s25+s3] =	stream.linear.scatter [tilespmem:s12], [sflag:$0x4], $0x4000, $0x38;
	[tilespmem:$0x11580] =	vst v63  }
0x79: {  	_ =	swait.ge [sflag:s4], $0x4000  }
0x7a: {  	[sflag:s4] =	ssyncset.done $0x0  }
.LBB2_2:
0x7b: {  	[sflag:s4] =	ssyncadd.s32 $0xFFFFC000  }
0x7c: {  	_ =	sfence.sel $0x180000  }
0x7d: {  	[bflag:$0x0] =	sbarrier.arrive $0xFFFF  }
0x7e: {  	p0 =	sne.s32 s0, $0x0;
	_ =	strace $0x90000047  }
0x7f: {  	s0 =	sadd.s32 @!p0 $0x100000, s1;
	[bflag:$0x2] =	sbarrier.arrive $0xFFFF  }
0x80: {  	[sflag:s0] =	ssyncadd.tile.s32 @!p0 $0x1;
	_ =	shalt  }
.Lfunc_end2:
_tile_overlayer_lowered:
.L_overlay_start_2:
0x81: {  	(tag) =	ssettag $0x2  }
0x82: {  	s0 =	rddreg [dreg:$0x0];
	s2 =	stileid.u32  }
0x83: {  	s1 =	rddreg [dreg:$0x1];
	p0 =	sne.s32 s2, $0x0  }
0x84: {  	s3 =	rddreg [dreg:$0x2];
	[bflag:$0x3] =	sbarrier.arrive $0xFFFF;
	s2 =	simm.s32 @!p0 $0x1C04  }
0x85: {  	[timem:s3], [sflag:s2] =	dma.local @!p0 [hbm:s0], s1  }
0x86: {  	s0 =	simm.s32 @!p0 $0x4  }
0x87: {  	_ =	swait.ge @!p0 [sflag:s0], s1  }
0x88: {  	s1 =	ssub.s32 @!p0 $0x0, s1;
	[sflag:s0] =	ssyncset.done @!p0 $0x0  }
0x89: {  	[sflag:s0] =	ssyncadd.s32 @!p0 s1  }
0x8a: {  	[bflag:$0x3] =	sbarrier.arrive $0xFFFF  }
0x8b: {  	_ =	shalt  }

</sc_bundles>
